<compile_context>
chip_gen: v7x
topology: tpu7x:2x2x1
jax: 0.10.2.dev20260603
libtpu: 0.0.44.dev20260713+nightly
codegen_flags: <defaults>
</compile_context>

<pallas_src>
import functools

import jax
import jax.numpy as jnp
from jax import lax
from jax.experimental import pallas as pl
from jax.experimental.pallas import tpu as pltpu
from jax.experimental.pallas import tpu_sc as plsc

EPS = 1e-6
T = 256
TA = 512
NC = 2
NS = 16
NW = NC * NS


def _router_body(x_ref, nw_ref, gw_ref, xn_ref, logits_ref, sel_ref):
    x = x_ref[...]
    v = jnp.mean(x * x, axis=-1, keepdims=True)
    xn = (x * lax.rsqrt(v + EPS)) * nw_ref[...]
    xn_ref[...] = xn
    logits = lax.dot_general(
        xn, gw_ref[...], (((1,), (1,)), ((), ())),
        preferred_element_type=jnp.float32)
    logits_ref[...] = logits
    e = logits.shape[-1]
    m = jnp.max(logits, axis=-1, keepdims=True)
    iota = lax.broadcasted_iota(jnp.int32, logits.shape, 1)
    am = jnp.min(jnp.where(logits == m, iota, e), axis=-1, keepdims=True)
    sel_ref[...] = jnp.broadcast_to(am, sel_ref.shape)


def _ffn_body(ue_ref, ut_ref, urs_ref, ure_ref, uf_ref,
              xs_ref, w1_ref, w3_ref, w2_ref, out_ref):
    u = pl.program_id(0)

    @pl.when(uf_ref[u] == 1)
    def _():
        out_ref[...] = jnp.zeros_like(out_ref)

    x = xs_ref[...]
    h1 = jnp.dot(x, w1_ref[0], preferred_element_type=jnp.float32)
    h3 = jnp.dot(x, w3_ref[0], preferred_element_type=jnp.float32)
    h = (h1 * jax.nn.sigmoid(h1)) * h3
    y = jnp.dot(h, w2_ref[0], preferred_element_type=jnp.float32)
    rows = lax.broadcasted_iota(jnp.int32, y.shape, 0)
    mask = (rows >= urs_ref[u]) & (rows < ure_ref[u])
    out_ref[...] += jnp.where(mask, y, 0.0)


def _unit_metadata(sel, n_experts, n_tokens):
    nt = n_tokens // T
    n_units = nt + n_experts - 1
    ssel, order = lax.sort_key_val(
        sel, jnp.arange(n_tokens, dtype=jnp.int32), is_stable=True)
    e_ids0 = jnp.arange(n_experts, dtype=jnp.int32)
    counts = jnp.sum(
        (ssel[:, None] == e_ids0[None, :]).astype(jnp.int32), axis=0)
    ends = jnp.cumsum(counts)
    offs = ends - counts
    first_t = offs // T
    last_t = jnp.where(counts > 0, (ends - 1) // T, first_t - 1)
    span = jnp.where(counts > 0, last_t - first_t + 1, 0)
    cum = jnp.cumsum(span)
    ubase = cum - span
    total = cum[-1]
    u = jnp.arange(n_units, dtype=jnp.int32)
    ue = jnp.minimum(
        jnp.sum((cum[None, :] <= u[:, None]).astype(jnp.int32), axis=1),
        n_experts - 1)
    valid = u < total
    e_ids = jnp.arange(n_experts, dtype=jnp.int32)
    pad_e = jnp.max(jnp.where(counts > 0, e_ids, 0))
    ue = jnp.where(valid, ue, pad_e)
    tab = jnp.stack([first_t, ubase, offs, ends])
    g = jnp.take(tab, ue, axis=1)
    ut = jnp.minimum(g[0] + (u - g[1]), nt - 1).astype(jnp.int32)
    urs = jnp.maximum(g[2] - ut * T, 0)
    ure = jnp.where(valid, jnp.minimum(g[3] - ut * T, T), 0)
    uf = jnp.concatenate(
        [jnp.ones((1,), jnp.int32), (ut[1:] != ut[:-1]).astype(jnp.int32)])
    return order, ue, urs.astype(jnp.int32), ure.astype(jnp.int32), ut, uf


def _make_sc_permute(n_tokens, d, reverse):
    rpw = n_tokens // NW
    mesh = plsc.VectorSubcoreMesh(core_axis_name="c", subcore_axis_name="s")

    @functools.partial(
        pl.kernel,
        out_type=jax.ShapeDtypeStruct((n_tokens, d), jnp.float32),
        mesh=mesh,
        scratch_types=[
            pltpu.VMEM((rpw,), jnp.int32),
            pltpu.VMEM((rpw, d), jnp.float32),
            pltpu.SemaphoreType.DMA,
        ],
    )
    def body(src_hbm, order_hbm, out_hbm, idx_v, rows_v, sem):
        wid = lax.axis_index("s") * NC + lax.axis_index("c")
        base = wid * rpw
        pltpu.sync_copy(order_hbm.at[pl.ds(base, rpw)], idx_v)
        if reverse:
            pltpu.sync_copy(src_hbm.at[pl.ds(base, rpw)], rows_v)
            pltpu.async_copy(rows_v, out_hbm.at[idx_v], sem).wait()
        else:
            pltpu.async_copy(src_hbm.at[idx_v], rows_v, sem).wait()
            pltpu.sync_copy(rows_v, out_hbm.at[pl.ds(base, rpw)])

    return body


def kernel(hidden_states, norm_w, gate_w, w1, w3, w2):
    b, s, d = hidden_states.shape
    n_experts, _, dff = w1.shape
    n_tokens = b * s
    nt = n_tokens // T
    n_units = nt + n_experts - 1
    x2d = hidden_states.reshape(n_tokens, d)

    xn, logits, selb = pl.pallas_call(
        _router_body,
        grid=(n_tokens // TA,),
        in_specs=[
            pl.BlockSpec((TA, d), lambda i: (i, 0)),
            pl.BlockSpec((1, d), lambda i: (0, 0)),
            pl.BlockSpec((n_experts, d), lambda i: (0, 0)),
        ],
        out_specs=[
            pl.BlockSpec((TA, d), lambda i: (i, 0)),
            pl.BlockSpec((TA, n_experts), lambda i: (i, 0)),
            pl.BlockSpec((TA, 128), lambda i: (i, 0)),
        ],
        out_shape=[
            jax.ShapeDtypeStruct((n_tokens, d), jnp.float32),
            jax.ShapeDtypeStruct((n_tokens, n_experts), jnp.float32),
            jax.ShapeDtypeStruct((n_tokens, 128), jnp.int32),
        ],
    )(x2d, norm_w.reshape(1, d), gate_w)
    sel = selb[:, 0]

    order, ue, urs, ure, ut, uf = _unit_metadata(sel, n_experts, n_tokens)

    xs = _make_sc_permute(n_tokens, d, reverse=False)(xn, order)

    grid_spec = pltpu.PrefetchScalarGridSpec(
        num_scalar_prefetch=5,
        grid=(n_units,),
        in_specs=[
            pl.BlockSpec((T, d), lambda u, ue, ut, urs, ure, uf: (ut[u], 0)),
            pl.BlockSpec(
                (1, d, dff), lambda u, ue, ut, urs, ure, uf: (ue[u], 0, 0)),
            pl.BlockSpec(
                (1, d, dff), lambda u, ue, ut, urs, ure, uf: (ue[u], 0, 0)),
            pl.BlockSpec(
                (1, dff, d), lambda u, ue, ut, urs, ure, uf: (ue[u], 0, 0)),
        ],
        out_specs=pl.BlockSpec(
            (T, d), lambda u, ue, ut, urs, ure, uf: (ut[u], 0)),
    )
    ys = pl.pallas_call(
        _ffn_body,
        grid_spec=grid_spec,
        out_shape=jax.ShapeDtypeStruct((n_tokens, d), jnp.float32),
    )(ue, ut, urs, ure, uf, xs, w1, w3, w2)

    final = _make_sc_permute(n_tokens, d, reverse=True)(ys, order)
    return final.reshape(b, s, d), logits

# --- scband reference (transcript-rebuilt; emitter-appended) ---
"""Pipeline reference for scband-mixtral-sparse-moe-8400956031007 (READ-ONLY COPY).

The authoritative reference and input builder live on the scoring server;
editing this copy changes nothing except your own understanding.
"""

import jax, jax.numpy as jnp
import numpy as np

E = 64
TOPK = 1
B = 1
S = 2048
D = 1024
DFF = 1024
EPS = 1e-6


def _rmsnorm(x, w):
    v = jnp.mean(jnp.square(x.astype(jnp.float32)), axis=-1, keepdims=True)
    return (x.astype(jnp.float32) * jax.lax.rsqrt(v + EPS)).astype(x.dtype) * w


def setup_inputs(seed: int = 0) -> dict:
    key = jax.random.key(seed)
    ks = jax.random.split(key, 5)
    hidden_states = jax.random.normal(ks[0], (B, S, D), dtype=jnp.float32)
    norm_w = jnp.ones((D,), dtype=jnp.float32)
    gate_w = jax.random.normal(ks[1], (E, D), dtype=jnp.float32) * 0.02
    w1 = jax.random.normal(ks[2], (E, D, DFF), dtype=jnp.float32) * 0.02
    w3 = jax.random.normal(ks[3], (E, D, DFF), dtype=jnp.float32) * 0.02
    w2 = jax.random.normal(ks[4], (E, DFF, D), dtype=jnp.float32) * 0.02
    return {"hidden_states": hidden_states, "norm_w": norm_w, "gate_w": gate_w, "w1": w1, "w3": w3, "w2": w2}


def reference(hidden_states, norm_w, gate_w, w1, w3, w2):
    # norm_fn == RMSNorm; expert_fn == SwiGLU FFN per expert (Mixtral-style)
    x = _rmsnorm(hidden_states, norm_w)
    b, s, d = x.shape
    x = x.reshape(-1, d)
    router_logits = x @ gate_w.T
    probs = jax.nn.softmax(router_logits.astype(jnp.float32), axis=1)
    rw, sel = jax.lax.top_k(probs, TOPK)
    rw = rw / jnp.sum(rw, axis=-1, keepdims=True)
    rw = rw.astype(x.dtype)
    final = jnp.zeros((b * s, d), dtype=x.dtype)
    n_experts = w1.shape[0]

    def body(acc, inputs):
        e, w1e, w3e, w2e = inputs
        w = jnp.sum(jnp.where(sel == e, rw, jnp.zeros_like(rw)), axis=-1, keepdims=True)
        h = jax.nn.silu(x @ w1e) * (x @ w3e)
        y = h @ w2e
        acc = acc + (w * y).astype(x.dtype)
        return acc, None

    final, _ = jax.lax.scan(
        body, final, (jnp.arange(n_experts, dtype=sel.dtype), w1, w3, w2)
    )
    return final.reshape(b, s, d), router_logits

if __name__ == "__main__":
    import jax
    _d = setup_inputs()
    print(jax.jit(kernel)(*tuple(_d.values())))

</pallas_src>

<mosaic_0001>
#map = affine_map<(d0, d1) -> (0, 0)>
#map1 = affine_map<(d0, d1) -> (0)>
module attributes {stable_mosaic.version = 14 : i64} {
  func.func @body(%arg0: i32, %arg1: i32, %arg2: memref<2048x1024xf32, #tpu.memory_space<hbm>>, %arg3: memref<2048xi32, #tpu.memory_space<hbm>>, %arg4: memref<2048x1024xf32, #tpu.memory_space<hbm>>, %arg5: memref<64xi32, #tpu.memory_space<vmem>>, %arg6: memref<64x1024xf32, #tpu.memory_space<vmem>>, %arg7: memref<!tpu.dma_semaphore, #tpu.memory_space<semaphore_mem>>) attributes {dimension_semantics = [#tpu.dimension_semantics<core_parallel>, #tpu.dimension_semantics<subcore_parallel>], iteration_bounds = array<i64: 2, 16>, scalar_prefetch = 0 : i64, scratch_operands = 3 : i64, tpu.core_type = #tpu.core_type<sc_vector_subcore>, window_params = [{transform_indices = #map}, {transform_indices = #map1}, {transform_indices = #map}]} {
    %mul3A = arith.constant 2 : i32
    %mul3A_0 = arith.muli %arg1, %mul3A : i32
    %add3A = arith.addi %mul3A_0, %arg0 : i32
    %mul3A_1 = arith.constant 64 : i32
    %mul3A_2 = arith.muli %add3A, %mul3A_1 : i32
    "tpu.region"() ({
      %run_scoped3A = tpu.sem_alloc : memref<!tpu.dma_semaphore, #tpu.memory_space<semaphore_mem>>
      %dma_start3A_7 = tpu.memref_slice %arg3[%mul3A_2] : memref<2048xi32, #tpu.memory_space<hbm>> -> memref<64xi32, #tpu.memory_space<hbm>>
      %dma_start3A_8 = tpu.memref_slice %arg3[%mul3A_2] : memref<2048xi32, #tpu.memory_space<hbm>> -> memref<64xi32, #tpu.memory_space<hbm>>
      tpu.enqueue_dma source(%dma_start3A_8 : memref<64xi32, #tpu.memory_space<hbm>>) target(%arg5 : memref<64xi32, #tpu.memory_space<vmem>>) target_semaphore(%run_scoped3A : memref<!tpu.dma_semaphore, #tpu.memory_space<semaphore_mem>>)
      %dma_wait3A_9 = tpu.memref_slice %arg3[%mul3A_2] : memref<2048xi32, #tpu.memory_space<hbm>> -> memref<64xi32, #tpu.memory_space<hbm>>
      %dma_wait3A_10 = tpu.memref_slice %arg3[%mul3A_2] : memref<2048xi32, #tpu.memory_space<hbm>> -> memref<64xi32, #tpu.memory_space<hbm>>
      tpu.wait_dma2 semaphore(%run_scoped3A : memref<!tpu.dma_semaphore, #tpu.memory_space<semaphore_mem>>) src(%dma_wait3A_10 : memref<64xi32, #tpu.memory_space<hbm>>) dst(%arg5 : memref<64xi32, #tpu.memory_space<vmem>>)
      tpu.yield
    }) : () -> ()
    %dma_start3A = arith.constant 0 : i32
    %dma_start3A_3 = arith.constant 0 : i32
    %dma_start3A_4 = tpu.memref_slice %arg2[%dma_start3A, %dma_start3A_3] : memref<2048x1024xf32, #tpu.memory_space<hbm>> -> memref<2048x1024xf32, #tpu.memory_space<hbm>>
    tpu.enqueue_indirect_dma source(%dma_start3A_4 : memref<2048x1024xf32, #tpu.memory_space<hbm>>) target(%arg6 : memref<64x1024xf32, #tpu.memory_space<vmem>>) offsets(%arg5 : memref<64xi32, #tpu.memory_space<vmem>>) semaphore(%arg7 : memref<!tpu.dma_semaphore, #tpu.memory_space<semaphore_mem>>)
    %dma_wait3A = arith.constant 0 : i32
    %dma_wait3A_5 = arith.constant 0 : i32
    %dma_wait3A_6 = tpu.memref_slice %arg2[%dma_wait3A, %dma_wait3A_5] : memref<2048x1024xf32, #tpu.memory_space<hbm>> -> memref<2048x1024xf32, #tpu.memory_space<hbm>>
    tpu.wait_indirect_dma semaphore(%arg7 : memref<!tpu.dma_semaphore, #tpu.memory_space<semaphore_mem>>) src(%dma_wait3A_6 : memref<2048x1024xf32, #tpu.memory_space<hbm>>) dst(%arg6 : memref<64x1024xf32, #tpu.memory_space<vmem>>)
    "tpu.region"() ({
      %run_scoped3A = tpu.sem_alloc : memref<!tpu.dma_semaphore, #tpu.memory_space<semaphore_mem>>
      %dma_start3A_7 = arith.constant 0 : i32
      %dma_start3A_8 = tpu.memref_slice %arg4[%mul3A_2, %dma_start3A_7] : memref<2048x1024xf32, #tpu.memory_space<hbm>> -> memref<64x1024xf32, #tpu.memory_space<hbm>>
      %dma_start3A_9 = arith.constant 0 : i32
      %dma_start3A_10 = tpu.memref_slice %arg4[%mul3A_2, %dma_start3A_9] : memref<2048x1024xf32, #tpu.memory_space<hbm>> -> memref<64x1024xf32, #tpu.memory_space<hbm>>
      tpu.enqueue_dma source(%arg6 : memref<64x1024xf32, #tpu.memory_space<vmem>>) target(%dma_start3A_10 : memref<64x1024xf32, #tpu.memory_space<hbm>>) target_semaphore(%run_scoped3A : memref<!tpu.dma_semaphore, #tpu.memory_space<semaphore_mem>>)
      %dma_wait3A_11 = arith.constant 0 : i32
      %dma_wait3A_12 = tpu.memref_slice %arg4[%mul3A_2, %dma_wait3A_11] : memref<2048x1024xf32, #tpu.memory_space<hbm>> -> memref<64x1024xf32, #tpu.memory_space<hbm>>
      %dma_wait3A_13 = arith.constant 0 : i32
      %dma_wait3A_14 = tpu.memref_slice %arg4[%mul3A_2, %dma_wait3A_13] : memref<2048x1024xf32, #tpu.memory_space<hbm>> -> memref<64x1024xf32, #tpu.memory_space<hbm>>
      tpu.wait_dma2 semaphore(%run_scoped3A : memref<!tpu.dma_semaphore, #tpu.memory_space<semaphore_mem>>) src(%arg6 : memref<64x1024xf32, #tpu.memory_space<vmem>>) dst(%dma_wait3A_14 : memref<64x1024xf32, #tpu.memory_space<hbm>>)
      tpu.yield
    }) : () -> ()
    return
  }
}

#map = affine_map<(d0, d1) -> (0, 0)>
#map1 = affine_map<(d0, d1) -> (0)>
module attributes {stable_mosaic.version = 14 : i64} {
  func.func @body(%arg0: i32, %arg1: i32, %arg2: memref<2048x1024xf32, #tpu.memory_space<hbm>>, %arg3: memref<2048xi32, #tpu.memory_space<hbm>>, %arg4: memref<2048x1024xf32, #tpu.memory_space<hbm>>, %arg5: memref<64xi32, #tpu.memory_space<vmem>>, %arg6: memref<64x1024xf32, #tpu.memory_space<vmem>>, %arg7: memref<!tpu.dma_semaphore, #tpu.memory_space<semaphore_mem>>) attributes {dimension_semantics = [#tpu.dimension_semantics<core_parallel>, #tpu.dimension_semantics<subcore_parallel>], iteration_bounds = array<i64: 2, 16>, scalar_prefetch = 0 : i64, scratch_operands = 3 : i64, tpu.core_type = #tpu.core_type<sc_vector_subcore>, window_params = [{transform_indices = #map}, {transform_indices = #map1}, {transform_indices = #map}]} {
    %mul3A = arith.constant 2 : i32
    %mul3A_0 = arith.muli %arg1, %mul3A : i32
    %add3A = arith.addi %mul3A_0, %arg0 : i32
    %mul3A_1 = arith.constant 64 : i32
    %mul3A_2 = arith.muli %add3A, %mul3A_1 : i32
    "tpu.region"() ({
      %run_scoped3A = tpu.sem_alloc : memref<!tpu.dma_semaphore, #tpu.memory_space<semaphore_mem>>
      %dma_start3A_7 = tpu.memref_slice %arg3[%mul3A_2] : memref<2048xi32, #tpu.memory_space<hbm>> -> memref<64xi32, #tpu.memory_space<hbm>>
      %dma_start3A_8 = tpu.memref_slice %arg3[%mul3A_2] : memref<2048xi32, #tpu.memory_space<hbm>> -> memref<64xi32, #tpu.memory_space<hbm>>
      tpu.enqueue_dma source(%dma_start3A_8 : memref<64xi32, #tpu.memory_space<hbm>>) target(%arg5 : memref<64xi32, #tpu.memory_space<vmem>>) target_semaphore(%run_scoped3A : memref<!tpu.dma_semaphore, #tpu.memory_space<semaphore_mem>>)
      %dma_wait3A_9 = tpu.memref_slice %arg3[%mul3A_2] : memref<2048xi32, #tpu.memory_space<hbm>> -> memref<64xi32, #tpu.memory_space<hbm>>
      %dma_wait3A_10 = tpu.memref_slice %arg3[%mul3A_2] : memref<2048xi32, #tpu.memory_space<hbm>> -> memref<64xi32, #tpu.memory_space<hbm>>
      tpu.wait_dma2 semaphore(%run_scoped3A : memref<!tpu.dma_semaphore, #tpu.memory_space<semaphore_mem>>) src(%dma_wait3A_10 : memref<64xi32, #tpu.memory_space<hbm>>) dst(%arg5 : memref<64xi32, #tpu.memory_space<vmem>>)
      tpu.yield
    }) : () -> ()
    "tpu.region"() ({
      %run_scoped3A = tpu.sem_alloc : memref<!tpu.dma_semaphore, #tpu.memory_space<semaphore_mem>>
      %dma_start3A_7 = arith.constant 0 : i32
      %dma_start3A_8 = tpu.memref_slice %arg2[%mul3A_2, %dma_start3A_7] : memref<2048x1024xf32, #tpu.memory_space<hbm>> -> memref<64x1024xf32, #tpu.memory_space<hbm>>
      %dma_start3A_9 = arith.constant 0 : i32
      %dma_start3A_10 = tpu.memref_slice %arg2[%mul3A_2, %dma_start3A_9] : memref<2048x1024xf32, #tpu.memory_space<hbm>> -> memref<64x1024xf32, #tpu.memory_space<hbm>>
      tpu.enqueue_dma source(%dma_start3A_10 : memref<64x1024xf32, #tpu.memory_space<hbm>>) target(%arg6 : memref<64x1024xf32, #tpu.memory_space<vmem>>) target_semaphore(%run_scoped3A : memref<!tpu.dma_semaphore, #tpu.memory_space<semaphore_mem>>)
      %dma_wait3A_11 = arith.constant 0 : i32
      %dma_wait3A_12 = tpu.memref_slice %arg2[%mul3A_2, %dma_wait3A_11] : memref<2048x1024xf32, #tpu.memory_space<hbm>> -> memref<64x1024xf32, #tpu.memory_space<hbm>>
      %dma_wait3A_13 = arith.constant 0 : i32
      %dma_wait3A_14 = tpu.memref_slice %arg2[%mul3A_2, %dma_wait3A_13] : memref<2048x1024xf32, #tpu.memory_space<hbm>> -> memref<64x1024xf32, #tpu.memory_space<hbm>>
      tpu.wait_dma2 semaphore(%run_scoped3A : memref<!tpu.dma_semaphore, #tpu.memory_space<semaphore_mem>>) src(%dma_wait3A_14 : memref<64x1024xf32, #tpu.memory_space<hbm>>) dst(%arg6 : memref<64x1024xf32, #tpu.memory_space<vmem>>)
      tpu.yield
    }) : () -> ()
    %dma_start3A = arith.constant 0 : i32
    %dma_start3A_3 = arith.constant 0 : i32
    %dma_start3A_4 = tpu.memref_slice %arg4[%dma_start3A, %dma_start3A_3] : memref<2048x1024xf32, #tpu.memory_space<hbm>> -> memref<2048x1024xf32, #tpu.memory_space<hbm>>
    tpu.enqueue_indirect_dma source(%arg6 : memref<64x1024xf32, #tpu.memory_space<vmem>>) target(%dma_start3A_4 : memref<2048x1024xf32, #tpu.memory_space<hbm>>) offsets(%arg5 : memref<64xi32, #tpu.memory_space<vmem>>) semaphore(%arg7 : memref<!tpu.dma_semaphore, #tpu.memory_space<semaphore_mem>>)
    %dma_wait3A = arith.constant 0 : i32
    %dma_wait3A_5 = arith.constant 0 : i32
    %dma_wait3A_6 = tpu.memref_slice %arg4[%dma_wait3A, %dma_wait3A_5] : memref<2048x1024xf32, #tpu.memory_space<hbm>> -> memref<2048x1024xf32, #tpu.memory_space<hbm>>
    tpu.wait_indirect_dma semaphore(%arg7 : memref<!tpu.dma_semaphore, #tpu.memory_space<semaphore_mem>>) src(%arg6 : memref<64x1024xf32, #tpu.memory_space<vmem>>) dst(%dma_wait3A_6 : memref<2048x1024xf32, #tpu.memory_space<hbm>>)
    return
  }
}

module attributes {stable_mosaic.version = 14 : i64} {
  func.func @_router_body(%arg0: i32, %arg1: memref<512x1024xf32, #tpu.memory_space<vmem>>, %arg2: memref<1x1024xf32, #tpu.memory_space<vmem>>, %arg3: memref<64x1024xf32, #tpu.memory_space<vmem>>, %arg4: memref<512x1024xf32, #tpu.memory_space<vmem>>, %arg5: memref<512x64xf32, #tpu.memory_space<vmem>>, %arg6: memref<512x128xi32, #tpu.memory_space<vmem>>) attributes {dimension_semantics = [#tpu.dimension_semantics<arbitrary>], iteration_bounds = array<i64: 4>, scalar_prefetch = 0 : i64, scratch_operands = 0 : i64, tpu.core_type = #tpu.core_type<tc>, window_params = [{transform_indices = @transform_0, window_bounds = array<i64: 512, 1024>}, {pipeline_mode = #tpu.pipeline_mode<synchronous>, transform_indices = @transform_1, window_bounds = array<i64: 1, 1024>}, {pipeline_mode = #tpu.pipeline_mode<synchronous>, transform_indices = @transform_2, window_bounds = array<i64: 64, 1024>}, {transform_indices = @transform_3, window_bounds = array<i64: 512, 1024>}, {transform_indices = @transform_4, window_bounds = array<i64: 512, 64>}, {transform_indices = @transform_5, window_bounds = array<i64: 512, 128>}]} {
    %get3A = arith.constant 0 : index
    %get3A_0 = arith.constant 0 : index
    %get3A_1 = vector.load %arg1[%get3A, %get3A_0] : memref<512x1024xf32, #tpu.memory_space<vmem>>, vector<512x1024xf32>
    %mul3A = arith.mulf %get3A_1, %get3A_1 : vector<512x1024xf32>
    %reduce_sum3A = arith.constant dense<0.000000e+00> : vector<512xf32>
    %reduce_sum3A_2 = vector.multi_reduction <add>, %mul3A, %reduce_sum3A [1] : vector<512x1024xf32> to vector<512xf32>
    %broadcast_in_dim3A = vector.shape_cast %reduce_sum3A_2 : vector<512xf32> to vector<512x1xf32>
    %div3A = arith.constant 1.024000e+03 : f32
    %div3A_3 = vector.broadcast %div3A : f32 to vector<512x1xf32>
    %div3A_4 = arith.divf %broadcast_in_dim3A, %div3A_3 : vector<512x1xf32>
    %add3A = arith.constant 9.99999997E-7 : f32
    %add3A_5 = vector.broadcast %add3A : f32 to vector<512x1xf32>
    %add3A_6 = arith.addf %div3A_4, %add3A_5 : vector<512x1xf32>
    %rsqrt3A = math.rsqrt %add3A_6 : vector<512x1xf32>
    %mul3A_7 = vector.broadcast %rsqrt3A : vector<512x1xf32> to vector<512x1024xf32>
    %mul3A_8 = arith.mulf %get3A_1, %mul3A_7 : vector<512x1024xf32>
    %get3A_9 = arith.constant 0 : index
    %get3A_10 = arith.constant 0 : index
    %get3A_11 = vector.load %arg2[%get3A_9, %get3A_10] : memref<1x1024xf32, #tpu.memory_space<vmem>>, vector<1x1024xf32>
    %mul3A_12 = vector.broadcast %get3A_11 : vector<1x1024xf32> to vector<512x1024xf32>
    %mul3A_13 = arith.mulf %mul3A_8, %mul3A_12 : vector<512x1024xf32>
    %swap3A = arith.constant 0 : index
    %swap3A_14 = arith.constant 0 : index
    %swap3A_15 = vector.load %arg4[%swap3A, %swap3A_14] : memref<512x1024xf32, #tpu.memory_space<vmem>>, vector<512x1024xf32>
    tpu.vector_store %arg4[%swap3A, %swap3A_14], %mul3A_13 {strides = array<i32>} : memref<512x1024xf32, #tpu.memory_space<vmem>>, vector<512x1024xf32>,
    %get3A_16 = arith.constant 0 : index
    %get3A_17 = arith.constant 0 : index
    %get3A_18 = vector.load %arg3[%get3A_16, %get3A_17] : memref<64x1024xf32, #tpu.memory_space<vmem>>, vector<64x1024xf32>
    %dot_general3A = arith.constant dense<0.000000e+00> : vector<512x64xf32>
    %dot_general3A_19 = tpu.matmul %mul3A_13, %get3A_18, %dot_general3A {dimension_numbers = #tpu.dot_dimension_numbers<[1], [1], [0], [0], [0, 0, 1, 0], [], []>, transpose_lhs_hint = false} : vector<512x1024xf32>, vector<64x1024xf32>, vector<512x64xf32> -> vector<512x64xf32>
    %swap3A_20 = arith.constant 0 : index
    %swap3A_21 = arith.constant 0 : index
    %swap3A_22 = vector.load %arg5[%swap3A_20, %swap3A_21] : memref<512x64xf32, #tpu.memory_space<vmem>>, vector<512x64xf32>
    tpu.vector_store %arg5[%swap3A_20, %swap3A_21], %dot_general3A_19 {strides = array<i32>} : memref<512x64xf32, #tpu.memory_space<vmem>>, vector<512x64xf32>,
    %reduce_max3A = arith.constant dense<0xFF800000> : vector<512xf32>
    %reduce_max3A_23 = vector.multi_reduction <maximumf>, %dot_general3A_19, %reduce_max3A [1] : vector<512x64xf32> to vector<512xf32>
    %broadcast_in_dim3A_24 = vector.shape_cast %reduce_max3A_23 : vector<512xf32> to vector<512x1xf32>
    %iota3A = tpu.iota {dimensions = array<i32: 1>} : vector<512x64xi32>
    %eq3A = vector.broadcast %broadcast_in_dim3A_24 : vector<512x1xf32> to vector<512x64xf32>
    %eq3A_25 = arith.cmpf oeq, %dot_general3A_19, %eq3A : vector<512x64xf32>
    %jit3A = arith.constant 64 : i32
    %broadcast_in_dim3A_26 = vector.broadcast %jit3A : i32 to vector<512x64xi32>
    %select_n3A = arith.select %eq3A_25, %iota3A, %broadcast_in_dim3A_26 : vector<512x64xi1>, vector<512x64xi32>
    %reduce_min3A = arith.constant dense<2147483647> : vector<512xi32>
    %reduce_min3A_27 = vector.multi_reduction <minsi>, %select_n3A, %reduce_min3A [1] : vector<512x64xi32> to vector<512xi32>
    %broadcast_in_dim3A_28 = vector.shape_cast %reduce_min3A_27 : vector<512xi32> to vector<512x1xi32>
    %broadcast_in_dim3A_29 = vector.shape_cast %broadcast_in_dim3A_28 : vector<512x1xi32> to vector<512x1xi32>
    %broadcast_in_dim3A_30 = vector.broadcast %broadcast_in_dim3A_29 : vector<512x1xi32> to vector<512x128xi32>
    %swap3A_31 = arith.constant 0 : index
    %swap3A_32 = arith.constant 0 : index
    %swap3A_33 = vector.load %arg6[%swap3A_31, %swap3A_32] : memref<512x128xi32, #tpu.memory_space<vmem>>, vector<512x128xi32>
    tpu.vector_store %arg6[%swap3A_31, %swap3A_32], %broadcast_in_dim3A_30 {strides = array<i32>} : memref<512x128xi32, #tpu.memory_space<vmem>>, vector<512x128xi32>,
    return
  }
  func.func @transform_0(%arg0: i32) -> (i32, i32) {
    %c0_i32 = arith.constant 0 : i32
    %c0_i32_0 = arith.constant 0 : i32
    return %arg0, %c0_i32 : i32, i32
  }
  func.func @transform_1(%arg0: i32) -> (i32, i32) {
    %c0_i32 = arith.constant 0 : i32
    %c0_i32_0 = arith.constant 0 : i32
    %c0_i32_1 = arith.constant 0 : i32
    return %c0_i32, %c0_i32_0 : i32, i32
  }
  func.func @transform_2(%arg0: i32) -> (i32, i32) {
    %c0_i32 = arith.constant 0 : i32
    %c0_i32_0 = arith.constant 0 : i32
    %c0_i32_1 = arith.constant 0 : i32
    return %c0_i32, %c0_i32_0 : i32, i32
  }
  func.func @transform_3(%arg0: i32) -> (i32, i32) {
    %c0_i32 = arith.constant 0 : i32
    %c0_i32_0 = arith.constant 0 : i32
    return %arg0, %c0_i32 : i32, i32
  }
  func.func @transform_4(%arg0: i32) -> (i32, i32) {
    %c0_i32 = arith.constant 0 : i32
    %c0_i32_0 = arith.constant 0 : i32
    return %arg0, %c0_i32 : i32, i32
  }
  func.func @transform_5(%arg0: i32) -> (i32, i32) {
    %c0_i32 = arith.constant 0 : i32
    %c0_i32_0 = arith.constant 0 : i32
    return %arg0, %c0_i32 : i32, i32
  }
}

module attributes {stable_mosaic.version = 14 : i64} {
  func.func @_ffn_body(%arg0: i32, %arg1: memref<71xi32, #tpu.memory_space<smem>>, %arg2: memref<71xi32, #tpu.memory_space<smem>>, %arg3: memref<71xi32, #tpu.memory_space<smem>>, %arg4: memref<71xi32, #tpu.memory_space<smem>>, %arg5: memref<71xi32, #tpu.memory_space<smem>>, %arg6: memref<256x1024xf32, #tpu.memory_space<vmem>>, %arg7: memref<1x1024x1024xf32, #tpu.memory_space<vmem>>, %arg8: memref<1x1024x1024xf32, #tpu.memory_space<vmem>>, %arg9: memref<1x1024x1024xf32, #tpu.memory_space<vmem>>, %arg10: memref<256x1024xf32, #tpu.memory_space<vmem>>) attributes {dimension_semantics = [#tpu.dimension_semantics<arbitrary>], iteration_bounds = array<i64: 71>, scalar_prefetch = 5 : i64, scratch_operands = 0 : i64, tpu.core_type = #tpu.core_type<tc>, window_params = [{transform_indices = @transform_0, window_bounds = array<i64: 256, 1024>}, {transform_indices = @transform_1, window_bounds = array<i64: 1, 1024, 1024>}, {transform_indices = @transform_2, window_bounds = array<i64: 1, 1024, 1024>}, {transform_indices = @transform_3, window_bounds = array<i64: 1, 1024, 1024>}, {transform_indices = @transform_4, window_bounds = array<i64: 256, 1024>}]} {
    %get3A = arith.index_cast %arg0 : i32 to index
    %get3A_0 = memref.load %arg5[%get3A] : memref<71xi32, #tpu.memory_space<smem>>
    %eq3A = arith.constant 1 : i32
    %eq3A_1 = arith.cmpi eq, %get3A_0, %eq3A : i32
    %convert_element_type3A = arith.extui %eq3A_1 : i1 to i32
    %cond3A = arith.constant 0 : i32
    %cond3A_2 = arith.cmpi ne, %convert_element_type3A, %cond3A : i32
    scf.if %cond3A_2 {
      %broadcast_in_dim3A_43 = arith.constant 0.000000e+00 : f32
      %broadcast_in_dim3A_44 = vector.broadcast %broadcast_in_dim3A_43 : f32 to vector<256x1024xf32>
      %swap3A_45 = arith.constant 0 : index
      %swap3A_46 = arith.constant 0 : index
      %swap3A_47 = vector.load %arg10[%swap3A_45, %swap3A_46] : memref<256x1024xf32, #tpu.memory_space<vmem>>, vector<256x1024xf32>
      tpu.vector_store %arg10[%swap3A_45, %swap3A_46], %broadcast_in_dim3A_44 {strides = array<i32>} : memref<256x1024xf32, #tpu.memory_space<vmem>>, vector<256x1024xf32>,
    } else {
    }
    %get3A_3 = arith.constant 0 : index
    %get3A_4 = arith.constant 0 : index
    %get3A_5 = vector.load %arg6[%get3A_3, %get3A_4] : memref<256x1024xf32, #tpu.memory_space<vmem>>, vector<256x1024xf32>
    %get3A_6 = arith.constant 0 : index
    %get3A_7 = arith.constant 0 : index
    %get3A_8 = arith.constant 0 : index
    %get3A_9 = vector.load %arg7[%get3A_6, %get3A_7, %get3A_8] : memref<1x1024x1024xf32, #tpu.memory_space<vmem>>, vector<1x1024x1024xf32>
    %get3A_10 = vector.shape_cast %get3A_9 : vector<1x1024x1024xf32> to vector<1024x1024xf32>
    %dot_general3A = arith.constant dense<0.000000e+00> : vector<256x1024xf32>
    %dot_general3A_11 = tpu.matmul %get3A_5, %get3A_10, %dot_general3A {dimension_numbers = #tpu.dot_dimension_numbers<[1], [0], [0], [1], [0, 0, 1, 1], [], []>, transpose_lhs_hint = false} : vector<256x1024xf32>, vector<1024x1024xf32>, vector<256x1024xf32> -> vector<256x1024xf32>
    %get3A_12 = arith.constant 0 : index
    %get3A_13 = arith.constant 0 : index
    %get3A_14 = arith.constant 0 : index
    %get3A_15 = vector.load %arg8[%get3A_12, %get3A_13, %get3A_14] : memref<1x1024x1024xf32, #tpu.memory_space<vmem>>, vector<1x1024x1024xf32>
    %get3A_16 = vector.shape_cast %get3A_15 : vector<1x1024x1024xf32> to vector<1024x1024xf32>
    %dot_general3A_17 = arith.constant dense<0.000000e+00> : vector<256x1024xf32>
    %dot_general3A_18 = tpu.matmul %get3A_5, %get3A_16, %dot_general3A_17 {dimension_numbers = #tpu.dot_dimension_numbers<[1], [0], [0], [1], [0, 0, 1, 1], [], []>, transpose_lhs_hint = false} : vector<256x1024xf32>, vector<1024x1024xf32>, vector<256x1024xf32> -> vector<256x1024xf32>
    %logistic3A = arith.negf %dot_general3A_11 : vector<256x1024xf32>
    %logistic3A_19 = math.exp %logistic3A : vector<256x1024xf32>
    %logistic3A_20 = arith.constant 1.000000e+00 : f32
    %logistic3A_21 = vector.broadcast %logistic3A_20 : f32 to vector<256x1024xf32>
    %logistic3A_22 = arith.addf %logistic3A_21, %logistic3A_19 : vector<256x1024xf32>
    %logistic3A_23 = arith.divf %logistic3A_21, %logistic3A_22 : vector<256x1024xf32>
    %mul3A = arith.mulf %dot_general3A_11, %logistic3A_23 : vector<256x1024xf32>
    %mul3A_24 = arith.mulf %mul3A, %dot_general3A_18 : vector<256x1024xf32>
    %get3A_25 = arith.constant 0 : index
    %get3A_26 = arith.constant 0 : index
    %get3A_27 = arith.constant 0 : index
    %get3A_28 = vector.load %arg9[%get3A_25, %get3A_26, %get3A_27] : memref<1x1024x1024xf32, #tpu.memory_space<vmem>>, vector<1x1024x1024xf32>
    %get3A_29 = vector.shape_cast %get3A_28 : vector<1x1024x1024xf32> to vector<1024x1024xf32>
    %dot_general3A_30 = arith.constant dense<0.000000e+00> : vector<256x1024xf32>
    %dot_general3A_31 = tpu.matmul %mul3A_24, %get3A_29, %dot_general3A_30 {dimension_numbers = #tpu.dot_dimension_numbers<[1], [0], [0], [1], [0, 0, 1, 1], [], []>, transpose_lhs_hint = false} : vector<256x1024xf32>, vector<1024x1024xf32>, vector<256x1024xf32> -> vector<256x1024xf32>
    %iota3A = tpu.iota {dimensions = array<i32: 0>} : vector<256x1024xi32>
    %get3A_32 = arith.index_cast %arg0 : i32 to index
    %get3A_33 = memref.load %arg3[%get3A_32] : memref<71xi32, #tpu.memory_space<smem>>
    %ge3A = vector.broadcast %get3A_33 : i32 to vector<256x1024xi32>
    %ge3A_34 = arith.cmpi sge, %iota3A, %ge3A : vector<256x1024xi32>
    %get3A_35 = arith.index_cast %arg0 : i32 to index
    %get3A_36 = memref.load %arg4[%get3A_35] : memref<71xi32, #tpu.memory_space<smem>>
    %lt3A = vector.broadcast %get3A_36 : i32 to vector<256x1024xi32>
    %lt3A_37 = arith.cmpi slt, %iota3A, %lt3A : vector<256x1024xi32>
    %and3A = arith.andi %ge3A_34, %lt3A_37 : vector<256x1024xi1>
    %get3A_38 = arith.constant 0 : index
    %get3A_39 = arith.constant 0 : index
    %get3A_40 = vector.load %arg10[%get3A_38, %get3A_39] : memref<256x1024xf32, #tpu.memory_space<vmem>>, vector<256x1024xf32>
    %jit3A = arith.constant 0.000000e+00 : f32
    %broadcast_in_dim3A = vector.broadcast %jit3A : f32 to vector<256x1024xf32>
    %select_n3A = arith.select %and3A, %dot_general3A_31, %broadcast_in_dim3A : vector<256x1024xi1>, vector<256x1024xf32>
    %add3A = arith.addf %get3A_40, %select_n3A : vector<256x1024xf32>
    %swap3A = arith.constant 0 : index
    %swap3A_41 = arith.constant 0 : index
    %swap3A_42 = vector.load %arg10[%swap3A, %swap3A_41] : memref<256x1024xf32, #tpu.memory_space<vmem>>, vector<256x1024xf32>
    tpu.vector_store %arg10[%swap3A, %swap3A_41], %add3A {strides = array<i32>} : memref<256x1024xf32, #tpu.memory_space<vmem>>, vector<256x1024xf32>,
    return
  }
  func.func @transform_0(%arg0: i32, %arg1: memref<71xi32, #tpu.memory_space<smem>>, %arg2: memref<71xi32, #tpu.memory_space<smem>>, %arg3: memref<71xi32, #tpu.memory_space<smem>>, %arg4: memref<71xi32, #tpu.memory_space<smem>>, %arg5: memref<71xi32, #tpu.memory_space<smem>>) -> (i32, i32) {
    %get3A = arith.index_cast %arg0 : i32 to index
    %get3A_0 = memref.load %arg2[%get3A] : memref<71xi32, #tpu.memory_space<smem>>
    %c0_i32 = arith.constant 0 : i32
    %c0_i32_1 = arith.constant 0 : i32
    return %get3A_0, %c0_i32 : i32, i32
  }
  func.func @transform_1(%arg0: i32, %arg1: memref<71xi32, #tpu.memory_space<smem>>, %arg2: memref<71xi32, #tpu.memory_space<smem>>, %arg3: memref<71xi32, #tpu.memory_space<smem>>, %arg4: memref<71xi32, #tpu.memory_space<smem>>, %arg5: memref<71xi32, #tpu.memory_space<smem>>) -> (i32, i32, i32) {
    %get3A = arith.index_cast %arg0 : i32 to index
    %get3A_0 = memref.load %arg1[%get3A] : memref<71xi32, #tpu.memory_space<smem>>
    %c0_i32 = arith.constant 0 : i32
    %c0_i32_1 = arith.constant 0 : i32
    %c0_i32_2 = arith.constant 0 : i32
    return %get3A_0, %c0_i32, %c0_i32_1 : i32, i32, i32
  }
  func.func @transform_2(%arg0: i32, %arg1: memref<71xi32, #tpu.memory_space<smem>>, %arg2: memref<71xi32, #tpu.memory_space<smem>>, %arg3: memref<71xi32, #tpu.memory_space<smem>>, %arg4: memref<71xi32, #tpu.memory_space<smem>>, %arg5: memref<71xi32, #tpu.memory_space<smem>>) -> (i32, i32, i32) {
    %get3A = arith.index_cast %arg0 : i32 to index
    %get3A_0 = memref.load %arg1[%get3A] : memref<71xi32, #tpu.memory_space<smem>>
    %c0_i32 = arith.constant 0 : i32
    %c0_i32_1 = arith.constant 0 : i32
    %c0_i32_2 = arith.constant 0 : i32
    return %get3A_0, %c0_i32, %c0_i32_1 : i32, i32, i32
  }
  func.func @transform_3(%arg0: i32, %arg1: memref<71xi32, #tpu.memory_space<smem>>, %arg2: memref<71xi32, #tpu.memory_space<smem>>, %arg3: memref<71xi32, #tpu.memory_space<smem>>, %arg4: memref<71xi32, #tpu.memory_space<smem>>, %arg5: memref<71xi32, #tpu.memory_space<smem>>) -> (i32, i32, i32) {
    %get3A = arith.index_cast %arg0 : i32 to index
    %get3A_0 = memref.load %arg1[%get3A] : memref<71xi32, #tpu.memory_space<smem>>
    %c0_i32 = arith.constant 0 : i32
    %c0_i32_1 = arith.constant 0 : i32
    %c0_i32_2 = arith.constant 0 : i32
    return %get3A_0, %c0_i32, %c0_i32_1 : i32, i32, i32
  }
  func.func @transform_4(%arg0: i32, %arg1: memref<71xi32, #tpu.memory_space<smem>>, %arg2: memref<71xi32, #tpu.memory_space<smem>>, %arg3: memref<71xi32, #tpu.memory_space<smem>>, %arg4: memref<71xi32, #tpu.memory_space<smem>>, %arg5: memref<71xi32, #tpu.memory_space<smem>>) -> (i32, i32) {
    %get3A = arith.index_cast %arg0 : i32 to index
    %get3A_0 = memref.load %arg2[%get3A] : memref<71xi32, #tpu.memory_space<smem>>
    %c0_i32 = arith.constant 0 : i32
    %c0_i32_1 = arith.constant 0 : i32
    return %get3A_0, %c0_i32 : i32, i32
  }
}

</mosaic_0001>

<sc_bundles>
// kernel: kernel.6.cloned.1.call-start
scs
__scs_entry_jumppad:
0x0: {  	(pc) =	sbr.rel $0x88, $3  }
0x1: {  	(tag) =	ssettag $0x0;
	lr =	simm.s32 $0x1  }
0x2: {  	[smem:$0x3F9B] =	sst lr;
	_ =	strace $0xD0000000  }
0x3: {  	_ = 	snop  }
0x4: {  	_ = 	snop  }
0x5: {  	_ = 	snop  }
0x6: {  	_ = 	snop  }
0x7: {  	_ = 	snop  }
__scs_overlays_trampoline_lowered:
0x8: {  	[smem:$0x3FAA] =	sst s0  }
0x9: {  	[smem:$0x3FAB] =	sst s1  }
0xa: {  	[smem:$0x3FAC] =	sst s2  }
0xb: {  	[smem:$0x3FAD] =	sst s3  }
0xc: {  	[smem:$0x3FAE] =	sst s4  }
0xd: {  	[smem:$0x3FAF] =	sst s5  }
0xe: {  	[smem:$0x3FB0] =	sst s6  }
0xf: {  	[smem:$0x3FB1] =	sst s7  }
0x10: {  	[smem:$0x3FB2] =	sst s8  }
0x11: {  	[smem:$0x3FB3] =	sst s9;
	s0 =	simm.s32 @!p0 $0x0  }
0x12: {  	s1 =	sld [smem:$0x3F99];
	s0 =	simm.s32 @p0 $0x1  }
0x13: {  	[smem:$0x3FB4] =	sst s0;
	s0 =	simm.s32 @!p1 $0x0  }
0x14: {  	s2 =	sld [smem:$0x3F98];
	s0 =	simm.s32 @p1 $0x1  }
0x15: {  	[smem:$0x3FB5] =	sst s0;
	s0 =	simm.s32 @!p2 $0x0  }
0x16: {  	s3 =	sld [smem:$0x3FDB];
	s0 =	simm.s32 @p2 $0x1  }
0x17: {  	s4 =	simm.s32 $0x1BF5;
	[smem:$0x3FB7] =	sst s0  }
0x18: {  	s0 =	sld [smem:$0x3F9A];
	_ =	swait.ge [sflag:s4], $0x0  }
0x19: {  	s7 =	sld [smem:$0x3F9B]  }
0x1a: {  	s8 =	sadd.s32 $0xFFFFE003, lr  }
0x1b: {  	s9 =	sadd.s32 $0xFFFFFEF7, lr;
	s5 =	simm.s32 $0xFFFFFFFF;
	p2 =	slt.u32 s8, $0xFFFFF086  }
0x1c: {  	p1 =	slt.u32 s9, $0xF7A;
	s5 =	simm.s32 @!p2 $0x0  }
0x1d: {  	s5 =	simm.s32 @p1 $0x1;
	p0 =	seq.s32 s7, s2  }
0x1e: {  	s7 =	smul.u32 @!p0 $0xF7A, s2;
	p2 =	seq.s32 @!p0 s5, $0x0  }
0x1f: {  	s9 =	smul.u32 $0xF7A, s1;
	s8 =	simm.s32 @!p0 $0x1BF5;
	p2 =	por !p2, p0  }
0x20: {  	[sflag:s8] =	ssyncset.s32 @!p0 $0xFFFFF086;
	s6 =	sadd.s32 @!p0 s3, s7;
	s7 =	simm.s32 @!p0 $0x108  }
0x21: {  	s3 =	sadd.s32 s3, s9;
	s6 =	sadd.s32 @!p0 $0x88, s6;
	s7 =	simm.s32 @p2 $0x1082  }
0x22: {  	[simem:s7], [sflag:s8] =	dma.local @!p0 [hbm:s6], $0xF7A  }
0x23: {  	s9 =	sor.u32 $0xD0000000, s2;
	s6 =	simm.s32 $0x108;
	_ =	swait.ge @!p0 [sflag:s8], $0x0  }
0x24: {  	s3 =	sadd.s32 $0x88, s3;
	s6 =	simm.s32 @!p1 $0x1082;
	[sflag:s4] =	ssyncset.s32 $0xFFFFF086  }
0x25: {  	[simem:s6], [sflag:s4] =	dma.local [hbm:s3], $0xF7A  }
0x26: {  	[smem:$0x3F9B] =	sst s1;
	(tag) =	ssettag s2;
	_ =	strace s9  }
0x27: {  	s1 =	sld [smem:$0x3FAB]  }
0x28: {  	s2 =	sld [smem:$0x3FAC]  }
0x29: {  	s4 =	sld [smem:$0x3FAE]  }
0x2a: {  	p0 =	seq.s32 s5, $0x0;
	s5 =	sld [smem:$0x3FAF]  }
0x2b: {  	s6 =	sld [smem:$0x3FB0]  }
0x2c: {  	s7 =	sld [smem:$0x3FB1]  }
0x2d: {  	s3 =	simm.s32 $0x108;
	s8 =	sld [smem:$0x3FB2]  }
0x2e: {  	s3 =	simm.s32 @!p0 $0x1082;
	s9 =	sld [smem:$0x3FB3]  }
0x2f: {  	lr =	sadd.s32 s0, s3;
	s0 =	sld [smem:$0x3FAA]  }
0x30: {  	s3 =	sld [smem:$0x3FAD]  }
0x31: {  	[smem:$0x3FB6] =	sst s10  }
0x32: {  	s10 =	sld [smem:$0x3FB4];
	_ =	sdelay $0x3  }
0x33: {  	p0 =	seq.s32 s10, $0x1;
	s10 =	sld [smem:$0x3FB6];
	_ =	sdelay $0x3  }
0x34: {  	[smem:$0x3FB6] =	sst s10  }
0x35: {  	s10 =	sld [smem:$0x3FB5];
	_ =	sdelay $0x3  }
0x36: {  	p1 =	seq.s32 s10, $0x1;
	s10 =	sld [smem:$0x3FB6];
	_ =	sdelay $0x3  }
0x37: {  	[smem:$0x3FB6] =	sst s10  }
0x38: {  	s10 =	sld [smem:$0x3FB7]  }
0x39: {  	_ = 	snop;
	(pc) =	sbr.ind lr, $3  }
0x3a: {  	_ = 	snop  }
0x3b: {  	_ = 	snop  }
0x3c: {  	p2 =	seq.s32 s10, $0x1;
	s10 =	sld [smem:$0x3FB6]  }
0x3d: {  	_ =	shalt  }
0x3e: {  	_ =	shalt  }
0x3f: {  	_ =	shalt  }
0x40: {  	_ =	shalt  }
0x41: {  	_ =	shalt  }
0x42: {  	_ =	shalt  }
0x43: {  	_ =	shalt  }
0x44: {  	_ =	shalt  }
0x45: {  	_ =	shalt  }
0x46: {  	_ =	shalt  }
0x47: {  	_ =	shalt  }
0x48: {  	_ =	shalt  }
0x49: {  	_ =	shalt  }
0x4a: {  	_ =	shalt  }
0x4b: {  	_ =	shalt  }
0x4c: {  	_ =	shalt  }
0x4d: {  	_ =	shalt  }
0x4e: {  	_ =	shalt  }
0x4f: {  	_ =	shalt  }
0x50: {  	_ =	shalt  }
0x51: {  	_ =	shalt  }
0x52: {  	_ =	shalt  }
0x53: {  	_ =	shalt  }
0x54: {  	_ =	shalt  }
0x55: {  	_ =	shalt  }
0x56: {  	_ =	shalt  }
0x57: {  	_ =	shalt  }
0x58: {  	_ =	shalt  }
0x59: {  	_ =	shalt  }
0x5a: {  	_ =	shalt  }
0x5b: {  	_ =	shalt  }
0x5c: {  	_ =	shalt  }
0x5d: {  	_ =	shalt  }
0x5e: {  	_ =	shalt  }
0x5f: {  	_ =	shalt  }
0x60: {  	_ =	shalt  }
0x61: {  	_ =	shalt  }
0x62: {  	_ =	shalt  }
0x63: {  	_ =	shalt  }
0x64: {  	_ =	shalt  }
0x65: {  	_ =	shalt  }
0x66: {  	_ =	shalt  }
0x67: {  	_ =	shalt  }
0x68: {  	_ =	shalt  }
0x69: {  	_ =	shalt  }
0x6a: {  	_ =	shalt  }
0x6b: {  	_ =	shalt  }
0x6c: {  	_ =	shalt  }
0x6d: {  	_ =	shalt  }
0x6e: {  	_ =	shalt  }
0x6f: {  	_ =	shalt  }
0x70: {  	_ =	shalt  }
0x71: {  	_ =	shalt  }
0x72: {  	_ =	shalt  }
0x73: {  	_ =	shalt  }
0x74: {  	_ =	shalt  }
0x75: {  	_ =	shalt  }
0x76: {  	_ =	shalt  }
0x77: {  	_ =	shalt  }
0x78: {  	_ =	shalt  }
0x79: {  	_ =	shalt  }
0x7a: {  	_ =	shalt  }
0x7b: {  	_ =	shalt  }
0x7c: {  	_ =	shalt  }
0x7d: {  	_ =	shalt  }
0x7e: {  	_ =	shalt  }
0x7f: {  	_ =	shalt  }
0x80: {  	_ =	shalt  }
0x81: {  	_ =	shalt  }
0x82: {  	_ =	shalt  }
0x83: {  	_ =	shalt  }
0x84: {  	_ =	shalt  }
0x85: {  	_ =	shalt  }
0x86: {  	_ =	shalt  }
0x87: {  	_ =	shalt  }
.Lfunc_end0:
.L_simem_size_0:
called_computation_lowered:
.L_overlay_start_0:
0x88: {  	s2 =	sld [smem:$0x3FD9]  }
0x89: {  	s3 =	sld [smem:$0x3FFE];
	_ =	sdelay $0x1  }
0x8a: {  	s1 =	srdreg.scid  }
0x8b: {  	s0 =	sand.u32 $0x1, s1  }
0x8c: {  	s14 =	sshll.u32 s0, $0xA;
	s2 =	sadd.s32 s3, s2  }
0x8d: {  	s2 =	sadd.s32 s2, s14  }
0x8e: {  	[smem:$0x3FC2] =	sst s2  }
0x8f: {  	_ = 	snop  }
0x90: {  	s2 =	sld [smem:$0x3FD0];
	_ =	sdelay $0x2  }
0x91: {  	s15 =	simm.s32 $0xA;
	s4 =	simm.s32 $0x10  }
0x92: {  	[smem:s4], [sflag:s15] =	dma.local [hbm:s2], $0x1  }
0x93: {  	_ =	swait.eq [sflag:s15], $0x1  }
0x94: {  	[sflag:s15] =	ssyncset.done $0x0  }
0x95: {  	[sflag:s15] =	ssyncadd.s32 $0xFFFFFFFF  }
0x96: {  	s16 =	sld [smem:$0x10];
	(tm) =	ssettm $0x1  }
0x97: {  	s17 =	sld [smem:$0x3FFB];
	_ =	sdelay $0x3  }
0x98: {  	_ =	strace s17  }
0x99: {  	s3 =	sld [smem:$0x3FFC];
	_ =	sdelay $0x3  }
0x9a: {  	_ =	strace s3  }
0x9b: {  	s3 =	sld [smem:$0x3FFD];
	_ =	sdelay $0x3  }
0x9c: {  	_ =	strace s3  }
0x9d: {  	_ =	strace $0x8FFFFFFF  }
0x9e: {  	s18 =	sld [smem:$0x3FDB];
	_ =	sdelay $0x1  }
0x9f: {  	s19 =	simm.s32 $_scs_section_size  }
0xa0: {  	s5 =	simm.s32 $_size__tile_overlayer_lowered;
	s6 =	simm.s32 $_tile_overlayer_lowered  }
0xa1: {  	s22 =	simm.s32 $0x1BFF;
	s21 =	sshll.u32 s6, $0x1;
	s3 =	sadd.s32 s19, s18  }
0xa2: {  	s7 =	simm.s32 $0x0;
	s20 =	sshll.u32 s5, $0x1;
	s5 =	sadd.s32 s21, s3  }
0xa3: {  	[timem:s7], [sflag:s22] =	dma.local [hbm:s5], s20  }
0xa4: {  	_ =	swait.ge [sflag:s22], s20  }
0xa5: {  	s4 =	ssub.s32 $0x0, s20;
	[sflag:s22] =	ssyncset.done $0x0  }
0xa6: {  	[sflag:s22] =	ssyncadd.s32 s4;
	_ =	sdelay $0x1  }
0xa7: {  	s23 =	simm.s32 $0x1B8B  }
0xa8: {  	_ =	swait.ge [sflag:s23], $0x1  }
0xa9: {  	[sflag:s23] =	ssyncset.done $0x0  }
0xaa: {  	s25 =	simm.s32 $0x1B8E;
	s24 =	sld [smem:$0x3FFE];
	[sflag:s23] =	ssyncadd.s32 $0xFFFFFFFF  }
0xab: {  	s26 =	simm.s32 $execute0_lowered;
	[smem:$0x3FD2] =	sst s25  }
0xac: {  	s5 =	sshll.u32 s26, $0x1;
	_ =	strace $0x80000046;
	[dreg:$0x1] =	wrdreg $0xFFFFFFFF  }
0xad: {  	s28 =	simm.s32 $_size_execute0_lowered;
	s3 =	sadd.s32 s3, s5;
	[dreg:$0x0] =	wrdreg $0x0  }
0xae: {  	s5 =	sshll.u32 s28, $0x1;
	[dreg:$0x2] =	wrdreg s3  }
0xaf: {  	[dreg:$0x3] =	wrdreg s5  }
0xb0: {  	[dreg:$0x4] =	wrdreg $0xC0  }
0xb1: {  	_ =	task [dreg:s7], $0x5FFFF  }
0xb2: {  	[dreg:$0x1] =	wrdreg $0xFFFFFFFF  }
0xb3: {  	[dreg:$0x0] =	wrdreg $0x60  }
0xb4: {  	[dreg:$0x2] =	wrdreg s16  }
0xb5: {  	[dreg:$0x3] =	wrdreg s24  }
0xb6: {  	[dreg:$0x4] =	wrdreg $0x9  }
0xb7: {  	_ =	task.clear_ibuf [dreg:s7], $0x5FFFF;
	_ =	strace $0x90000046  }
0xb8: {  	s29 =	simm.s32 $0x9;
	_ =	strace $0x80000048  }
0xb9: {  	_ =	swait.ge [sflag:s29], $0x1  }
0xba: {  	[sflag:s29] =	ssyncadd.s32 $0xFFFFFFFF  }
0xbb: {  	_ =	strace $0x90000048  }
0xbc: {  	_ =	sfence  }
0xbd: {  	s30 =	sld [smem:$0x0];
	_ =	sdelay $0x2  }
0xbe: {  	s31 =	sshll.u32 s1, $0xD;
	s1 =	sshrl.u32 s1, $0x2  }
0xbf: {  	s3 =	sand.u32 $0x4000, s31;
	s1 =	sadd.s32 s1, s30  }
0xc0: {  	s0 =	sor.u32 s3, s0;
	s1 =	sshll.u32 s1, $0x11  }
0xc1: {  	s0 =	sor.u32 s1, s0  }
0xc2: {  	s0 =	sadd.s32 $0x8F2B, s0  }
0xc3: {  	[sflag:s0] =	ssyncadd.remote.s32 $0x1  }
0xc4: {  	_ =	sfence.sel $0xFFFF  }
0xc5: {  	[dreg:$0x0] =	wrdreg $0xFFFFFFFF;
	(pc) =	sbr.abs _section_cstart, $3  }
0xc6: {  	[dreg:$0x1] =	wrdreg $0xFFFFFFFF  }
0xc7: {  	_ =	task.clear_ibuf [dreg:s7], $0x2FFFF;
	_ =	strace $0x9FFFFFFF  }
0xc8: {  	(tm) =	ssettm $0x7FFFFFFF  }
0xc9: {  	_ =	shalt  }
tec
execute0_lowered:
.L_overlay_start_1:
0x0: {  	(tag) =	ssettag $0x1  }
0x1: {  	s1 =	srdreg.scid  }
0x2: {  	s0 =	stileid.u32;
	s2 =	rddreg [dreg:$0x0]  }
0x3: {  	s5 =	rddreg [dreg:$0x1];
	s18 =	simm.s32 $0x880;
	s19 =	simm.s32 $0x1080  }
0x4: {  	s20 =	simm.s32 $0x1880;
	s22 =	simm.s32 $0x2080;
	s23 =	simm.s32 $0x2880  }
0x5: {  	s24 =	simm.s32 $0x3080;
	s7 =	simm.s32 $0x3880;
	s8 =	simm.s32 $0x4080  }
0x6: {  	s25 =	simm.s32 $0x4880;
	s26 =	simm.s32 $0x5080;
	s1 =	sand.u32 $0x1, s1  }
0x7: {  	s9 =	simm.s32 $0x80;
	s3 =	sshll.u32 s0, $0x7;
	s4 =	sshll.u32 s1, $0x6  }
0x8: {  	s11 =	simm.s32 $0x6080;
	s4 =	sor.u32 s4, s3;
	s3 =	simm.s32 $0x0  }
0x9: {  	s12 =	simm.s32 $0x6880;
	s13 =	simm.s32 $0x7080;
	[smem:$0x7FF] =	sst s3  }
0xa: {  	s14 =	simm.s32 $0x7880;
	_ =	strace $0x80000047;
	[dreg:$0x5] =	wrdreg s18  }
0xb: {  	s15 =	simm.s32 $0x8080;
	s16 =	simm.s32 $0x8880;
	[dreg:$0x6] =	wrdreg s19  }
0xc: {  	s28 =	simm.s32 $0xE080;
	s29 =	simm.s32 $0xE880;
	[dreg:$0x7] =	wrdreg s20  }
0xd: {  	s30 =	simm.s32 $0xF080;
	s1 =	ssub.s32 $0x2, s1;
	[dreg:$0x8] =	wrdreg s22  }
0xe: {  	s31 =	simm.s32 $0xF880;
	s21 =	sshrl.u32 s1, $0x1;
	[dreg:$0x9] =	wrdreg s23  }
0xf: {  	s6 =	sshrl.u32 s4, $0x3;
	s4 =	sshll.u32 s4, $0x7;
	[dreg:$0xa] =	wrdreg s24  }
0x10: {  	s1 =	ssub.s32 s1, s21;
	s21 =	simm.s32 $0xB080;
	[dreg:$0xb] =	wrdreg s7  }
0x11: {  	s6 =	sadd.s32 s6, s5;
	s4 =	sadd.s32 s4, s5;
	[dreg:$0xc] =	wrdreg s8  }
0x12: {  	s5 =	sadd.s32 $0x200, s2;
	s7 =	smax.u32 s1, $0x1;
	[dreg:$0xd] =	wrdreg s25  }
0x13: {  	s8 =	simm.s32 $0x2;
	[dreg:$0xe] =	wrdreg s26;
	s18 =	simm.s32 $0x9880  }
0x14: {  	s19 =	simm.s32 $0xA080;
	s20 =	simm.s32 $0xA880;
	s22 =	simm.s32 $0xB880  }
0x15: {  	s23 =	simm.s32 $0xC080;
	s24 =	simm.s32 $0xC880;
	s25 =	simm.s32 $0xD080  }
0x16: {  	v2 =	vlaneseq.u32;
	s26 =	simm.s32 $0xD880;
	s1 =	simm.s32 $0x1;
	s17 =	sadd.s32 $0x8000, s6  }
0x17: {  	vm0 =	vmmov $0xffff;
	v1 =	vshrl.u32 v2, $0x3;
	s4 =	sadd.s32 $0x8200, s4;
	s6 =	sadd.s32 $0x300, s2;
	[dreg:$0x3] =	wrdreg s17  }
0x18: {  	v0 =	vand.u32 $0x7, v2;
	v2 =	vor.u32 $0x8, v2;
	v1 =	vmul.u32 $0x8, v1;
	[dreg:$0x4] =	wrdreg s4;
	s4 =	sadd.s32 $0x100, s2;
	s17 =	simm.s32 $0x9080  }
.LBB2_1:
0x19: {  	s0 =	rddreg [dreg:$0x3]  }
0x1a: {  	[tilespmem:s3], [sflag:$0x2] =	stream.linear.gather [hbm4b:s0+s3], $0x40, $0x38;
	[tilespmem:$0x10080] =	vst v63  }
0x1b: {  	_ =	swait.ge [sflag:s8], $0x40  }
0x1c: {  	[sflag:s8] =	ssyncset.done $0x0  }
0x1d: {  	[sflag:s8] =	ssyncadd.s32 $0xFFFFFFC0  }
0x1e: {  	v3 =	vld [tilespmem:$0x0];
	_ =	sdelay $0x4  }
0x1f: {  	v4 =	vshll.u32 v3, $0x3  }
0x20: {  	v3 =	vand.u32 $0x7, v3;
	v4 =	vand.u32 $0xFFFFFFC0, v4  }
0x21: {  	v3 =	vor.u32 v3, v4  }
0x22: {  	v4 =	vperm.xlane v3, v0;
	_ =	sdelay $0x1  }
0x23: {  	v4 =	vadd.s32 v1, v4;
	_ =	sdelay $0x4  }
0x24: {  	[tilespmem:s9], [sflag:$0x1] =	stream.indirect_vreg.gather [hbm4b:s2+s3], $0x80, v4, vm0, $0xb8;
	[tilespmem:$0x10080] =	vst v63  }
0x25: {  	s0 =	rddreg [dreg:$0x5];
	v3 =	vperm.xlane v3, v2  }
0x26: {  	[tilespmem:s0], [sflag:$0x1] =	stream.indirect_vreg.gather [hbm4b:s4+s3], $0x80, v4, vm0, $0xb8;
	[tilespmem:$0x10080] =	vst v63  }
0x27: {  	s10 =	rddreg [dreg:$0x6];
	v3 =	vadd.s32 v1, v3  }
0x28: {  	[tilespmem:s10], [sflag:$0x1] =	stream.indirect_vreg.gather [hbm4b:s5+s3], $0x80, v4, vm0, $0xb8;
	[tilespmem:$0x10080] =	vst v63  }
0x29: {  	s0 =	rddreg [dreg:$0x7]  }
0x2a: {  	[tilespmem:s0], [sflag:$0x1] =	stream.indirect_vreg.gather [hbm4b:s6+s3], $0x80, v4, vm0, $0xb8;
	[tilespmem:$0x10080] =	vst v63  }
0x2b: {  	s10 =	rddreg [dreg:$0x8]  }
0x2c: {  	[tilespmem:s10], [sflag:$0x1] =	stream.indirect_vreg.gather [hbm4b:s2+s3], $0x80, v3, vm0, $0xb8;
	[tilespmem:$0x10080] =	vst v63  }
0x2d: {  	s0 =	rddreg [dreg:$0x9]  }
0x2e: {  	[tilespmem:s0], [sflag:$0x1] =	stream.indirect_vreg.gather [hbm4b:s4+s3], $0x80, v3, vm0, $0xb8;
	[tilespmem:$0x10080] =	vst v63  }
0x2f: {  	s10 =	rddreg [dreg:$0xa]  }
0x30: {  	[tilespmem:s10], [sflag:$0x1] =	stream.indirect_vreg.gather [hbm4b:s5+s3], $0x80, v3, vm0, $0xb8;
	[tilespmem:$0x10080] =	vst v63  }
0x31: {  	s0 =	rddreg [dreg:$0xb]  }
0x32: {  	[tilespmem:s0], [sflag:$0x1] =	stream.indirect_vreg.gather [hbm4b:s6+s3], $0x80, v3, vm0, $0xb8;
	[tilespmem:$0x10080] =	vst v63  }
0x33: {  	v3 =	vld [tilespmem:$0x10];
	_ =	sdelay $0x4  }
0x34: {  	v61 =	vshll.u32 v3, $0x3  }
0x35: {  	v3 =	vand.u32 $0x7, v3;
	v4 =	vand.u32 $0xFFFFFFC0, v61  }
0x36: {  	v3 =	vor.u32 v3, v4  }
0x37: {  	v4 =	vperm.xlane v3, v0;
	_ =	sdelay $0x1  }
0x38: {  	v4 =	vadd.s32 v1, v4;
	_ =	sdelay $0x3  }
0x39: {  	s0 =	rddreg [dreg:$0xc]  }
0x3a: {  	[tilespmem:s0], [sflag:$0x1] =	stream.indirect_vreg.gather [hbm4b:s2+s3], $0x80, v4, vm0, $0xb8;
	[tilespmem:$0x10080] =	vst v63  }
0x3b: {  	s10 =	rddreg [dreg:$0xd];
	v3 =	vperm.xlane v3, v2  }
0x3c: {  	[tilespmem:s10], [sflag:$0x1] =	stream.indirect_vreg.gather [hbm4b:s4+s3], $0x80, v4, vm0, $0xb8;
	[tilespmem:$0x10080] =	vst v63  }
0x3d: {  	v3 =	vadd.s32 v1, v3;
	s0 =	rddreg [dreg:$0xe]  }
0x3e: {  	[tilespmem:s0], [sflag:$0x1] =	stream.indirect_vreg.gather [hbm4b:s5+s3], $0x80, v4, vm0, $0xb8;
	[tilespmem:$0x10080] =	vst v63  }
0x3f: {  	s10 =	simm.s32 $0x5880  }
0x40: {  	[tilespmem:s10], [sflag:$0x1] =	stream.indirect_vreg.gather [hbm4b:s6+s3], $0x80, v4, vm0, $0xb8;
	[tilespmem:$0x10080] =	vst v63  }
0x41: {  	_ = 	snop  }
0x42: {  	[tilespmem:s11], [sflag:$0x1] =	stream.indirect_vreg.gather [hbm4b:s2+s3], $0x80, v3, vm0, $0xb8;
	[tilespmem:$0x10080] =	vst v63  }
0x43: {  	_ = 	snop  }
0x44: {  	[tilespmem:s12], [sflag:$0x1] =	stream.indirect_vreg.gather [hbm4b:s4+s3], $0x80, v3, vm0, $0xb8;
	[tilespmem:$0x10080] =	vst v63  }
0x45: {  	_ = 	snop  }
0x46: {  	[tilespmem:s13], [sflag:$0x1] =	stream.indirect_vreg.gather [hbm4b:s5+s3], $0x80, v3, vm0, $0xb8;
	[tilespmem:$0x10080] =	vst v63  }
0x47: {  	_ = 	snop  }
0x48: {  	[tilespmem:s14], [sflag:$0x1] =	stream.indirect_vreg.gather [hbm4b:s6+s3], $0x80, v3, vm0, $0xb8;
	[tilespmem:$0x10080] =	vst v63  }
0x49: {  	v3 =	vld [tilespmem:$0x20];
	_ =	sdelay $0x4  }
0x4a: {  	v62 =	vshll.u32 v3, $0x3  }
0x4b: {  	v3 =	vand.u32 $0x7, v3;
	v4 =	vand.u32 $0xFFFFFFC0, v62  }
0x4c: {  	v3 =	vor.u32 v3, v4  }
0x4d: {  	v4 =	vperm.xlane v3, v0;
	_ =	sdelay $0x1  }
0x4e: {  	v4 =	vadd.s32 v1, v4;
	_ =	sdelay $0x4  }
0x4f: {  	[tilespmem:s15], [sflag:$0x1] =	stream.indirect_vreg.gather [hbm4b:s2+s3], $0x80, v4, vm0, $0xb8;
	[tilespmem:$0x10080] =	vst v63  }
0x50: {  	v3 =	vperm.xlane v3, v2  }
0x51: {  	[tilespmem:s16], [sflag:$0x1] =	stream.indirect_vreg.gather [hbm4b:s4+s3], $0x80, v4, vm0, $0xb8;
	[tilespmem:$0x10080] =	vst v63  }
0x52: {  	v3 =	vadd.s32 v1, v3  }
0x53: {  	[tilespmem:s17], [sflag:$0x1] =	stream.indirect_vreg.gather [hbm4b:s5+s3], $0x80, v4, vm0, $0xb8;
	[tilespmem:$0x10080] =	vst v63  }
0x54: {  	_ = 	snop  }
0x55: {  	[tilespmem:s18], [sflag:$0x1] =	stream.indirect_vreg.gather [hbm4b:s6+s3], $0x80, v4, vm0, $0xb8;
	[tilespmem:$0x10080] =	vst v63  }
0x56: {  	_ = 	snop  }
0x57: {  	[tilespmem:s19], [sflag:$0x1] =	stream.indirect_vreg.gather [hbm4b:s2+s3], $0x80, v3, vm0, $0xb8;
	[tilespmem:$0x10080] =	vst v63  }
0x58: {  	_ = 	snop  }
0x59: {  	[tilespmem:s20], [sflag:$0x1] =	stream.indirect_vreg.gather [hbm4b:s4+s3], $0x80, v3, vm0, $0xb8;
	[tilespmem:$0x10080] =	vst v63  }
0x5a: {  	_ = 	snop  }
0x5b: {  	[tilespmem:s21], [sflag:$0x1] =	stream.indirect_vreg.gather [hbm4b:s5+s3], $0x80, v3, vm0, $0xb8;
	[tilespmem:$0x10080] =	vst v63  }
0x5c: {  	_ = 	snop  }
0x5d: {  	[tilespmem:s22], [sflag:$0x1] =	stream.indirect_vreg.gather [hbm4b:s6+s3], $0x80, v3, vm0, $0xb8;
	[tilespmem:$0x10080] =	vst v63  }
0x5e: {  	v3 =	vld [tilespmem:$0x30];
	_ =	sdelay $0x4  }
0x5f: {  	v63 =	vshll.u32 v3, $0x3  }
0x60: {  	v3 =	vand.u32 $0x7, v3;
	v4 =	vand.u32 $0xFFFFFFC0, v63  }
0x61: {  	v3 =	vor.u32 v3, v4  }
0x62: {  	v4 =	vperm.xlane v3, v0;
	_ =	sdelay $0x1  }
0x63: {  	v4 =	vadd.s32 v1, v4;
	_ =	sdelay $0x4  }
0x64: {  	[tilespmem:s23], [sflag:$0x1] =	stream.indirect_vreg.gather [hbm4b:s2+s3], $0x80, v4, vm0, $0xb8;
	[tilespmem:$0x10080] =	vst v63  }
0x65: {  	v3 =	vperm.xlane v3, v2  }
0x66: {  	[tilespmem:s24], [sflag:$0x1] =	stream.indirect_vreg.gather [hbm4b:s4+s3], $0x80, v4, vm0, $0xb8;
	[tilespmem:$0x10080] =	vst v63  }
0x67: {  	v3 =	vadd.s32 v1, v3  }
0x68: {  	[tilespmem:s25], [sflag:$0x1] =	stream.indirect_vreg.gather [hbm4b:s5+s3], $0x80, v4, vm0, $0xb8;
	[tilespmem:$0x10080] =	vst v63  }
0x69: {  	_ = 	snop  }
0x6a: {  	[tilespmem:s26], [sflag:$0x1] =	stream.indirect_vreg.gather [hbm4b:s6+s3], $0x80, v4, vm0, $0xb8;
	[tilespmem:$0x10080] =	vst v63  }
0x6b: {  	_ = 	snop  }
0x6c: {  	[tilespmem:s28], [sflag:$0x1] =	stream.indirect_vreg.gather [hbm4b:s2+s3], $0x80, v3, vm0, $0xb8;
	[tilespmem:$0x10080] =	vst v63  }
0x6d: {  	_ = 	snop  }
0x6e: {  	[tilespmem:s29], [sflag:$0x1] =	stream.indirect_vreg.gather [hbm4b:s4+s3], $0x80, v3, vm0, $0xb8;
	[tilespmem:$0x10080] =	vst v63  }
0x6f: {  	_ = 	snop  }
0x70: {  	[tilespmem:s30], [sflag:$0x1] =	stream.indirect_vreg.gather [hbm4b:s5+s3], $0x80, v3, vm0, $0xb8;
	[tilespmem:$0x10080] =	vst v63  }
0x71: {  	_ = 	snop  }
0x72: {  	[tilespmem:s31], [sflag:$0x1] =	stream.indirect_vreg.gather [hbm4b:s6+s3], $0x80, v3, vm0, $0xb8;
	[tilespmem:$0x10080] =	vst v63  }
0x73: {  	_ =	swait.ge [sflag:s1], $0x10000  }
0x74: {  	p0 =	sne.s32 s7, $0x1;
	[sflag:s1] =	ssyncset.done $0x0  }
.Ltmp0:
0x75: {  	s10 =	rddreg [dreg:$0x4];
	[sflag:s1] =	ssyncadd.s32 $0xFFFF0000;
	(pc) =	sbr.rel @p0 .LBB2_1-.Ltmp0, $4  }
0x76: {  	[hbm4b:s10+s3] =	stream.linear.scatter [tilespmem:s9], [sflag:$0x2], $0x10000, $0x38;
	[tilespmem:$0x10080] =	vst v63  }
0x77: {  	_ =	swait.ge [sflag:s8], $0x10000  }
0x78: {  	[sflag:s8] =	ssyncset.done $0x0  }
0x79: {  	s7 =	sadd.s32 $0xFFFFFFFF, s7;
	[sflag:s8] =	ssyncadd.s32 $0xFFFF0000  }
0x7a: {  	_ =	sfence.sel $0x180000  }
0x7b: {  	[bflag:$0x0] =	sbarrier.arrive $0xFFFF  }
0x7c: {  	_ =	strace $0x90000047  }
0x7d: {  	s0 =	stileid.u32;
	[bflag:$0x2] =	sbarrier.arrive $0xFFFF  }
0x7e: {  	p0 =	sne.s32 s0, $0x0;
	s0 =	rddreg [dreg:$0x2]  }
0x7f: {  	s0 =	sadd.s32 @!p0 $0x100000, s0  }
0x80: {  	[sflag:s0] =	ssyncadd.tile.s32 @!p0 $0x1;
	_ =	shalt  }
.Lfunc_end2:
_tile_overlayer_lowered:
.L_overlay_start_2:
0x81: {  	(tag) =	ssettag $0x2  }
0x82: {  	s0 =	rddreg [dreg:$0x0];
	s2 =	stileid.u32  }
0x83: {  	s1 =	rddreg [dreg:$0x1];
	p0 =	sne.s32 s2, $0x0  }
0x84: {  	s3 =	rddreg [dreg:$0x2];
	[bflag:$0x3] =	sbarrier.arrive $0xFFFF;
	s2 =	simm.s32 @!p0 $0x1C02  }
0x85: {  	[timem:s3], [sflag:s2] =	dma.local @!p0 [hbm:s0], s1  }
0x86: {  	s0 =	simm.s32 @!p0 $0x2  }
0x87: {  	_ =	swait.ge @!p0 [sflag:s0], s1  }
0x88: {  	s1 =	ssub.s32 @!p0 $0x0, s1;
	[sflag:s0] =	ssyncset.done @!p0 $0x0  }
0x89: {  	[sflag:s0] =	ssyncadd.s32 @!p0 s1  }
0x8a: {  	[bflag:$0x3] =	sbarrier.arrive $0xFFFF  }
0x8b: {  	_ =	shalt  }

// kernel: kernel.9.cloned.1.call-start
scs
__scs_entry_jumppad:
0x0: {  	(pc) =	sbr.rel $0x88, $3  }
0x1: {  	(tag) =	ssettag $0x0;
	lr =	simm.s32 $0x1  }
0x2: {  	[smem:$0x3F9B] =	sst lr;
	_ =	strace $0xD0000000  }
0x3: {  	_ = 	snop  }
0x4: {  	_ = 	snop  }
0x5: {  	_ = 	snop  }
0x6: {  	_ = 	snop  }
0x7: {  	_ = 	snop  }
__scs_overlays_trampoline_lowered:
0x8: {  	[smem:$0x3FAA] =	sst s0  }
0x9: {  	[smem:$0x3FAB] =	sst s1  }
0xa: {  	[smem:$0x3FAC] =	sst s2  }
0xb: {  	[smem:$0x3FAD] =	sst s3  }
0xc: {  	[smem:$0x3FAE] =	sst s4  }
0xd: {  	[smem:$0x3FAF] =	sst s5  }
0xe: {  	[smem:$0x3FB0] =	sst s6  }
0xf: {  	[smem:$0x3FB1] =	sst s7  }
0x10: {  	[smem:$0x3FB2] =	sst s8  }
0x11: {  	[smem:$0x3FB3] =	sst s9;
	s0 =	simm.s32 @!p0 $0x0  }
0x12: {  	s1 =	sld [smem:$0x3F99];
	s0 =	simm.s32 @p0 $0x1  }
0x13: {  	[smem:$0x3FB4] =	sst s0;
	s0 =	simm.s32 @!p1 $0x0  }
0x14: {  	s2 =	sld [smem:$0x3F98];
	s0 =	simm.s32 @p1 $0x1  }
0x15: {  	[smem:$0x3FB5] =	sst s0;
	s0 =	simm.s32 @!p2 $0x0  }
0x16: {  	s3 =	sld [smem:$0x3FDB];
	s0 =	simm.s32 @p2 $0x1  }
0x17: {  	s4 =	simm.s32 $0x1BF5;
	[smem:$0x3FB7] =	sst s0  }
0x18: {  	s0 =	sld [smem:$0x3F9A];
	_ =	swait.ge [sflag:s4], $0x0  }
0x19: {  	s7 =	sld [smem:$0x3F9B]  }
0x1a: {  	s8 =	sadd.s32 $0xFFFFE003, lr  }
0x1b: {  	s9 =	sadd.s32 $0xFFFFFEF7, lr;
	s5 =	simm.s32 $0xFFFFFFFF;
	p2 =	slt.u32 s8, $0xFFFFF086  }
0x1c: {  	p1 =	slt.u32 s9, $0xF7A;
	s5 =	simm.s32 @!p2 $0x0  }
0x1d: {  	s5 =	simm.s32 @p1 $0x1;
	p0 =	seq.s32 s7, s2  }
0x1e: {  	s7 =	smul.u32 @!p0 $0xF7A, s2;
	p2 =	seq.s32 @!p0 s5, $0x0  }
0x1f: {  	s9 =	smul.u32 $0xF7A, s1;
	s8 =	simm.s32 @!p0 $0x1BF5;
	p2 =	por !p2, p0  }
0x20: {  	[sflag:s8] =	ssyncset.s32 @!p0 $0xFFFFF086;
	s6 =	sadd.s32 @!p0 s3, s7;
	s7 =	simm.s32 @!p0 $0x108  }
0x21: {  	s3 =	sadd.s32 s3, s9;
	s6 =	sadd.s32 @!p0 $0x88, s6;
	s7 =	simm.s32 @p2 $0x1082  }
0x22: {  	[simem:s7], [sflag:s8] =	dma.local @!p0 [hbm:s6], $0xF7A  }
0x23: {  	s9 =	sor.u32 $0xD0000000, s2;
	s6 =	simm.s32 $0x108;
	_ =	swait.ge @!p0 [sflag:s8], $0x0  }
0x24: {  	s3 =	sadd.s32 $0x88, s3;
	s6 =	simm.s32 @!p1 $0x1082;
	[sflag:s4] =	ssyncset.s32 $0xFFFFF086  }
0x25: {  	[simem:s6], [sflag:s4] =	dma.local [hbm:s3], $0xF7A  }
0x26: {  	[smem:$0x3F9B] =	sst s1;
	(tag) =	ssettag s2;
	_ =	strace s9  }
0x27: {  	s1 =	sld [smem:$0x3FAB]  }
0x28: {  	s2 =	sld [smem:$0x3FAC]  }
0x29: {  	s4 =	sld [smem:$0x3FAE]  }
0x2a: {  	p0 =	seq.s32 s5, $0x0;
	s5 =	sld [smem:$0x3FAF]  }
0x2b: {  	s6 =	sld [smem:$0x3FB0]  }
0x2c: {  	s7 =	sld [smem:$0x3FB1]  }
0x2d: {  	s3 =	simm.s32 $0x108;
	s8 =	sld [smem:$0x3FB2]  }
0x2e: {  	s3 =	simm.s32 @!p0 $0x1082;
	s9 =	sld [smem:$0x3FB3]  }
0x2f: {  	lr =	sadd.s32 s0, s3;
	s0 =	sld [smem:$0x3FAA]  }
0x30: {  	s3 =	sld [smem:$0x3FAD]  }
0x31: {  	[smem:$0x3FB6] =	sst s10  }
0x32: {  	s10 =	sld [smem:$0x3FB4];
	_ =	sdelay $0x3  }
0x33: {  	p0 =	seq.s32 s10, $0x1;
	s10 =	sld [smem:$0x3FB6];
	_ =	sdelay $0x3  }
0x34: {  	[smem:$0x3FB6] =	sst s10  }
0x35: {  	s10 =	sld [smem:$0x3FB5];
	_ =	sdelay $0x3  }
0x36: {  	p1 =	seq.s32 s10, $0x1;
	s10 =	sld [smem:$0x3FB6];
	_ =	sdelay $0x3  }
0x37: {  	[smem:$0x3FB6] =	sst s10  }
0x38: {  	s10 =	sld [smem:$0x3FB7]  }
0x39: {  	_ = 	snop;
	(pc) =	sbr.ind lr, $3  }
0x3a: {  	_ = 	snop  }
0x3b: {  	_ = 	snop  }
0x3c: {  	p2 =	seq.s32 s10, $0x1;
	s10 =	sld [smem:$0x3FB6]  }
0x3d: {  	_ =	shalt  }
0x3e: {  	_ =	shalt  }
0x3f: {  	_ =	shalt  }
0x40: {  	_ =	shalt  }
0x41: {  	_ =	shalt  }
0x42: {  	_ =	shalt  }
0x43: {  	_ =	shalt  }
0x44: {  	_ =	shalt  }
0x45: {  	_ =	shalt  }
0x46: {  	_ =	shalt  }
0x47: {  	_ =	shalt  }
0x48: {  	_ =	shalt  }
0x49: {  	_ =	shalt  }
0x4a: {  	_ =	shalt  }
0x4b: {  	_ =	shalt  }
0x4c: {  	_ =	shalt  }
0x4d: {  	_ =	shalt  }
0x4e: {  	_ =	shalt  }
0x4f: {  	_ =	shalt  }
0x50: {  	_ =	shalt  }
0x51: {  	_ =	shalt  }
0x52: {  	_ =	shalt  }
0x53: {  	_ =	shalt  }
0x54: {  	_ =	shalt  }
0x55: {  	_ =	shalt  }
0x56: {  	_ =	shalt  }
0x57: {  	_ =	shalt  }
0x58: {  	_ =	shalt  }
0x59: {  	_ =	shalt  }
0x5a: {  	_ =	shalt  }
0x5b: {  	_ =	shalt  }
0x5c: {  	_ =	shalt  }
0x5d: {  	_ =	shalt  }
0x5e: {  	_ =	shalt  }
0x5f: {  	_ =	shalt  }
0x60: {  	_ =	shalt  }
0x61: {  	_ =	shalt  }
0x62: {  	_ =	shalt  }
0x63: {  	_ =	shalt  }
0x64: {  	_ =	shalt  }
0x65: {  	_ =	shalt  }
0x66: {  	_ =	shalt  }
0x67: {  	_ =	shalt  }
0x68: {  	_ =	shalt  }
0x69: {  	_ =	shalt  }
0x6a: {  	_ =	shalt  }
0x6b: {  	_ =	shalt  }
0x6c: {  	_ =	shalt  }
0x6d: {  	_ =	shalt  }
0x6e: {  	_ =	shalt  }
0x6f: {  	_ =	shalt  }
0x70: {  	_ =	shalt  }
0x71: {  	_ =	shalt  }
0x72: {  	_ =	shalt  }
0x73: {  	_ =	shalt  }
0x74: {  	_ =	shalt  }
0x75: {  	_ =	shalt  }
0x76: {  	_ =	shalt  }
0x77: {  	_ =	shalt  }
0x78: {  	_ =	shalt  }
0x79: {  	_ =	shalt  }
0x7a: {  	_ =	shalt  }
0x7b: {  	_ =	shalt  }
0x7c: {  	_ =	shalt  }
0x7d: {  	_ =	shalt  }
0x7e: {  	_ =	shalt  }
0x7f: {  	_ =	shalt  }
0x80: {  	_ =	shalt  }
0x81: {  	_ =	shalt  }
0x82: {  	_ =	shalt  }
0x83: {  	_ =	shalt  }
0x84: {  	_ =	shalt  }
0x85: {  	_ =	shalt  }
0x86: {  	_ =	shalt  }
0x87: {  	_ =	shalt  }
.Lfunc_end0:
.L_simem_size_0:
called_computation.1_lowered:
.L_overlay_start_0:
0x88: {  	s2 =	sld [smem:$0x3FD9]  }
0x89: {  	s3 =	sld [smem:$0x3FFE];
	_ =	sdelay $0x1  }
0x8a: {  	s1 =	srdreg.scid  }
0x8b: {  	s0 =	sand.u32 $0x1, s1  }
0x8c: {  	s14 =	sshll.u32 s0, $0xA;
	s2 =	sadd.s32 s3, s2  }
0x8d: {  	s2 =	sadd.s32 s2, s14  }
0x8e: {  	[smem:$0x3FC2] =	sst s2  }
0x8f: {  	_ = 	snop  }
0x90: {  	s2 =	sld [smem:$0x3FD0];
	_ =	sdelay $0x2  }
0x91: {  	s15 =	simm.s32 $0xA;
	s4 =	simm.s32 $0x10  }
0x92: {  	[smem:s4], [sflag:s15] =	dma.local [hbm:s2], $0x1  }
0x93: {  	_ =	swait.eq [sflag:s15], $0x1  }
0x94: {  	[sflag:s15] =	ssyncset.done $0x0  }
0x95: {  	[sflag:s15] =	ssyncadd.s32 $0xFFFFFFFF  }
0x96: {  	s16 =	sld [smem:$0x10];
	(tm) =	ssettm $0x1  }
0x97: {  	s17 =	sld [smem:$0x3FFB];
	_ =	sdelay $0x3  }
0x98: {  	_ =	strace s17  }
0x99: {  	s3 =	sld [smem:$0x3FFC];
	_ =	sdelay $0x3  }
0x9a: {  	_ =	strace s3  }
0x9b: {  	s3 =	sld [smem:$0x3FFD];
	_ =	sdelay $0x3  }
0x9c: {  	_ =	strace s3  }
0x9d: {  	_ =	strace $0x8FFFFFFF  }
0x9e: {  	s18 =	sld [smem:$0x3FDB];
	_ =	sdelay $0x1  }
0x9f: {  	s19 =	simm.s32 $_scs_section_size  }
0xa0: {  	s5 =	simm.s32 $_size__tile_overlayer_lowered;
	s6 =	simm.s32 $_tile_overlayer_lowered  }
0xa1: {  	s22 =	simm.s32 $0x1BFF;
	s21 =	sshll.u32 s6, $0x1;
	s3 =	sadd.s32 s19, s18  }
0xa2: {  	s7 =	simm.s32 $0x0;
	s20 =	sshll.u32 s5, $0x1;
	s5 =	sadd.s32 s21, s3  }
0xa3: {  	[timem:s7], [sflag:s22] =	dma.local [hbm:s5], s20  }
0xa4: {  	_ =	swait.ge [sflag:s22], s20  }
0xa5: {  	s4 =	ssub.s32 $0x0, s20;
	[sflag:s22] =	ssyncset.done $0x0  }
0xa6: {  	[sflag:s22] =	ssyncadd.s32 s4;
	_ =	sdelay $0x1  }
0xa7: {  	s23 =	simm.s32 $0x1B8B  }
0xa8: {  	_ =	swait.ge [sflag:s23], $0x1  }
0xa9: {  	[sflag:s23] =	ssyncset.done $0x0  }
0xaa: {  	s25 =	simm.s32 $0x1B8E;
	s24 =	sld [smem:$0x3FFE];
	[sflag:s23] =	ssyncadd.s32 $0xFFFFFFFF  }
0xab: {  	s26 =	simm.s32 $execute0_lowered;
	[smem:$0x3FD2] =	sst s25  }
0xac: {  	s5 =	sshll.u32 s26, $0x1;
	_ =	strace $0x80000049;
	[dreg:$0x1] =	wrdreg $0xFFFFFFFF  }
0xad: {  	s28 =	simm.s32 $_size_execute0_lowered;
	s3 =	sadd.s32 s3, s5;
	[dreg:$0x0] =	wrdreg $0x0  }
0xae: {  	s5 =	sshll.u32 s28, $0x1;
	[dreg:$0x2] =	wrdreg s3  }
0xaf: {  	[dreg:$0x3] =	wrdreg s5  }
0xb0: {  	[dreg:$0x4] =	wrdreg $0xC0  }
0xb1: {  	_ =	task [dreg:s7], $0x5FFFF  }
0xb2: {  	[dreg:$0x1] =	wrdreg $0xFFFFFFFF  }
0xb3: {  	[dreg:$0x0] =	wrdreg $0x60  }
0xb4: {  	[dreg:$0x2] =	wrdreg s24  }
0xb5: {  	[dreg:$0x3] =	wrdreg s16  }
0xb6: {  	[dreg:$0x4] =	wrdreg $0x9  }
0xb7: {  	_ =	task.clear_ibuf [dreg:s7], $0x5FFFF;
	_ =	strace $0x90000049  }
0xb8: {  	s29 =	simm.s32 $0x9;
	_ =	strace $0x8000004B  }
0xb9: {  	_ =	swait.ge [sflag:s29], $0x1  }
0xba: {  	[sflag:s29] =	ssyncadd.s32 $0xFFFFFFFF  }
0xbb: {  	_ =	strace $0x9000004B  }
0xbc: {  	_ =	sfence  }
0xbd: {  	s30 =	sld [smem:$0x0];
	_ =	sdelay $0x2  }
0xbe: {  	s31 =	sshll.u32 s1, $0xD;
	s1 =	sshrl.u32 s1, $0x2  }
0xbf: {  	s3 =	sand.u32 $0x4000, s31;
	s1 =	sadd.s32 s1, s30  }
0xc0: {  	s0 =	sor.u32 s3, s0;
	s1 =	sshll.u32 s1, $0x11  }
0xc1: {  	s0 =	sor.u32 s1, s0  }
0xc2: {  	s0 =	sadd.s32 $0x8F2B, s0  }
0xc3: {  	[sflag:s0] =	ssyncadd.remote.s32 $0x1  }
0xc4: {  	_ =	sfence.sel $0xFFFF  }
0xc5: {  	[dreg:$0x0] =	wrdreg $0xFFFFFFFF;
	(pc) =	sbr.abs _section_cstart, $3  }
0xc6: {  	[dreg:$0x1] =	wrdreg $0xFFFFFFFF  }
0xc7: {  	_ =	task.clear_ibuf [dreg:s7], $0x2FFFF;
	_ =	strace $0x9FFFFFFF  }
0xc8: {  	(tm) =	ssettm $0x7FFFFFFF  }
0xc9: {  	_ =	shalt  }
tec
execute0_lowered:
.L_overlay_start_1:
0x0: {  	(tag) =	ssettag $0x1  }
0x1: {  	s1 =	srdreg.scid  }
0x2: {  	s0 =	stileid.u32;
	s4 =	rddreg [dreg:$0x0]  }
0x3: {  	s2 =	rddreg [dreg:$0x1];
	s18 =	simm.s32 $0x880;
	s19 =	simm.s32 $0x1080  }
0x4: {  	s20 =	simm.s32 $0x1880;
	s22 =	simm.s32 $0x2080;
	s23 =	simm.s32 $0x2880  }
0x5: {  	s24 =	simm.s32 $0x3080;
	s7 =	simm.s32 $0x3880;
	s8 =	simm.s32 $0x4080  }
0x6: {  	s25 =	simm.s32 $0x4880;
	s26 =	simm.s32 $0x5080;
	s1 =	sand.u32 $0x1, s1  }
0x7: {  	s9 =	simm.s32 $0x80;
	s3 =	sshll.u32 s0, $0x7;
	s5 =	sshll.u32 s1, $0x6  }
0x8: {  	s11 =	simm.s32 $0x6080;
	s5 =	sor.u32 s5, s3;
	s3 =	simm.s32 $0x0  }
0x9: {  	s12 =	simm.s32 $0x6880;
	s13 =	simm.s32 $0x7080;
	[smem:$0x7FF] =	sst s3  }
0xa: {  	s14 =	simm.s32 $0x7880;
	_ =	strace $0x8000004A;
	[dreg:$0x5] =	wrdreg s18  }
0xb: {  	s15 =	simm.s32 $0x8080;
	s16 =	simm.s32 $0x8880;
	[dreg:$0x6] =	wrdreg s19  }
0xc: {  	s28 =	simm.s32 $0xE080;
	s29 =	simm.s32 $0xE880;
	[dreg:$0x7] =	wrdreg s20  }
0xd: {  	s30 =	simm.s32 $0xF080;
	s1 =	ssub.s32 $0x2, s1;
	[dreg:$0x8] =	wrdreg s22  }
0xe: {  	s31 =	simm.s32 $0xF880;
	s21 =	sshrl.u32 s1, $0x1;
	[dreg:$0x9] =	wrdreg s23  }
0xf: {  	s6 =	sshrl.u32 s5, $0x3;
	s5 =	sshll.u32 s5, $0x7;
	[dreg:$0xa] =	wrdreg s24  }
0x10: {  	s1 =	ssub.s32 s1, s21;
	s21 =	simm.s32 $0xB080;
	[dreg:$0xb] =	wrdreg s7  }
0x11: {  	s6 =	sadd.s32 s6, s4;
	s4 =	sadd.s32 s5, s4;
	[dreg:$0xc] =	wrdreg s8  }
0x12: {  	s5 =	sadd.s32 $0x200, s2;
	s7 =	smax.u32 s1, $0x1;
	[dreg:$0xd] =	wrdreg s25  }
0x13: {  	s8 =	simm.s32 $0x2;
	[dreg:$0xe] =	wrdreg s26;
	s18 =	simm.s32 $0x9880  }
0x14: {  	s19 =	simm.s32 $0xA080;
	s20 =	simm.s32 $0xA880;
	s22 =	simm.s32 $0xB880  }
0x15: {  	s23 =	simm.s32 $0xC080;
	s24 =	simm.s32 $0xC880;
	s25 =	simm.s32 $0xD080  }
0x16: {  	v2 =	vlaneseq.u32;
	s26 =	simm.s32 $0xD880;
	s1 =	simm.s32 $0x1;
	s17 =	sadd.s32 $0x8000, s6  }
0x17: {  	vm0 =	vmmov $0xffff;
	v1 =	vshrl.u32 v2, $0x3;
	s4 =	sadd.s32 $0x8200, s4;
	s6 =	sadd.s32 $0x300, s2;
	[dreg:$0x3] =	wrdreg s17  }
0x18: {  	v0 =	vand.u32 $0x7, v2;
	v2 =	vor.u32 $0x8, v2;
	v1 =	vmul.u32 $0x8, v1;
	[dreg:$0x4] =	wrdreg s4;
	s4 =	sadd.s32 $0x100, s2;
	s17 =	simm.s32 $0x9080  }
.LBB2_1:
0x19: {  	s0 =	rddreg [dreg:$0x3]  }
0x1a: {  	[tilespmem:s3], [sflag:$0x2] =	stream.linear.gather [hbm4b:s0+s3], $0x40, $0x38;
	[tilespmem:$0x10080] =	vst v63  }
0x1b: {  	_ =	swait.ge [sflag:s8], $0x40  }
0x1c: {  	[sflag:s8] =	ssyncset.done $0x0  }
0x1d: {  	s10 =	rddreg [dreg:$0x4];
	[sflag:s8] =	ssyncadd.s32 $0xFFFFFFC0  }
0x1e: {  	[tilespmem:s9], [sflag:$0x2] =	stream.linear.gather [hbm4b:s10+s3], $0x10000, $0x38;
	[tilespmem:$0x10080] =	vst v63  }
0x1f: {  	_ =	swait.ge [sflag:s8], $0x10000  }
0x20: {  	[sflag:s8] =	ssyncset.done $0x0  }
0x21: {  	[sflag:s8] =	ssyncadd.s32 $0xFFFF0000  }
0x22: {  	v3 =	vld [tilespmem:$0x0];
	_ =	sdelay $0x4  }
0x23: {  	v4 =	vshll.u32 v3, $0x3  }
0x24: {  	v3 =	vand.u32 $0x7, v3;
	v4 =	vand.u32 $0xFFFFFFC0, v4  }
0x25: {  	v3 =	vor.u32 v3, v4  }
0x26: {  	v4 =	vperm.xlane v3, v0;
	_ =	sdelay $0x1  }
0x27: {  	v4 =	vadd.s32 v1, v4;
	_ =	sdelay $0x4  }
0x28: {  	[hbm4b:s2+s3] =	stream.indirect_vreg.scatter [tilespmem:s9], [sflag:$0x1], $0x80, v4, vm0, $0xb8;
	[tilespmem:$0x10080] =	vst v63  }
0x29: {  	s0 =	rddreg [dreg:$0x5];
	v3 =	vperm.xlane v3, v2  }
0x2a: {  	[hbm4b:s4+s3] =	stream.indirect_vreg.scatter [tilespmem:s0], [sflag:$0x1], $0x80, v4, vm0, $0xb8;
	[tilespmem:$0x10080] =	vst v63  }
0x2b: {  	s10 =	rddreg [dreg:$0x6];
	v3 =	vadd.s32 v1, v3  }
0x2c: {  	[hbm4b:s5+s3] =	stream.indirect_vreg.scatter [tilespmem:s10], [sflag:$0x1], $0x80, v4, vm0, $0xb8;
	[tilespmem:$0x10080] =	vst v63  }
0x2d: {  	s0 =	rddreg [dreg:$0x7]  }
0x2e: {  	[hbm4b:s6+s3] =	stream.indirect_vreg.scatter [tilespmem:s0], [sflag:$0x1], $0x80, v4, vm0, $0xb8;
	[tilespmem:$0x10080] =	vst v63  }
0x2f: {  	s10 =	rddreg [dreg:$0x8]  }
0x30: {  	[hbm4b:s2+s3] =	stream.indirect_vreg.scatter [tilespmem:s10], [sflag:$0x1], $0x80, v3, vm0, $0xb8;
	[tilespmem:$0x10080] =	vst v63  }
0x31: {  	s0 =	rddreg [dreg:$0x9]  }
0x32: {  	[hbm4b:s4+s3] =	stream.indirect_vreg.scatter [tilespmem:s0], [sflag:$0x1], $0x80, v3, vm0, $0xb8;
	[tilespmem:$0x10080] =	vst v63  }
0x33: {  	s10 =	rddreg [dreg:$0xa]  }
0x34: {  	[hbm4b:s5+s3] =	stream.indirect_vreg.scatter [tilespmem:s10], [sflag:$0x1], $0x80, v3, vm0, $0xb8;
	[tilespmem:$0x10080] =	vst v63  }
0x35: {  	s0 =	rddreg [dreg:$0xb]  }
0x36: {  	[hbm4b:s6+s3] =	stream.indirect_vreg.scatter [tilespmem:s0], [sflag:$0x1], $0x80, v3, vm0, $0xb8;
	[tilespmem:$0x10080] =	vst v63  }
0x37: {  	v3 =	vld [tilespmem:$0x10];
	_ =	sdelay $0x4  }
0x38: {  	v61 =	vshll.u32 v3, $0x3  }
0x39: {  	v3 =	vand.u32 $0x7, v3;
	v4 =	vand.u32 $0xFFFFFFC0, v61  }
0x3a: {  	v3 =	vor.u32 v3, v4  }
0x3b: {  	v4 =	vperm.xlane v3, v0;
	_ =	sdelay $0x1  }
0x3c: {  	v4 =	vadd.s32 v1, v4;
	_ =	sdelay $0x3  }
0x3d: {  	s0 =	rddreg [dreg:$0xc]  }
0x3e: {  	[hbm4b:s2+s3] =	stream.indirect_vreg.scatter [tilespmem:s0], [sflag:$0x1], $0x80, v4, vm0, $0xb8;
	[tilespmem:$0x10080] =	vst v63  }
0x3f: {  	s10 =	rddreg [dreg:$0xd];
	v3 =	vperm.xlane v3, v2  }
0x40: {  	[hbm4b:s4+s3] =	stream.indirect_vreg.scatter [tilespmem:s10], [sflag:$0x1], $0x80, v4, vm0, $0xb8;
	[tilespmem:$0x10080] =	vst v63  }
0x41: {  	v3 =	vadd.s32 v1, v3;
	s0 =	rddreg [dreg:$0xe]  }
0x42: {  	[hbm4b:s5+s3] =	stream.indirect_vreg.scatter [tilespmem:s0], [sflag:$0x1], $0x80, v4, vm0, $0xb8;
	[tilespmem:$0x10080] =	vst v63  }
0x43: {  	s10 =	simm.s32 $0x5880  }
0x44: {  	[hbm4b:s6+s3] =	stream.indirect_vreg.scatter [tilespmem:s10], [sflag:$0x1], $0x80, v4, vm0, $0xb8;
	[tilespmem:$0x10080] =	vst v63  }
0x45: {  	_ = 	snop  }
0x46: {  	[hbm4b:s2+s3] =	stream.indirect_vreg.scatter [tilespmem:s11], [sflag:$0x1], $0x80, v3, vm0, $0xb8;
	[tilespmem:$0x10080] =	vst v63  }
0x47: {  	_ = 	snop  }
0x48: {  	[hbm4b:s4+s3] =	stream.indirect_vreg.scatter [tilespmem:s12], [sflag:$0x1], $0x80, v3, vm0, $0xb8;
	[tilespmem:$0x10080] =	vst v63  }
0x49: {  	_ = 	snop  }
0x4a: {  	[hbm4b:s5+s3] =	stream.indirect_vreg.scatter [tilespmem:s13], [sflag:$0x1], $0x80, v3, vm0, $0xb8;
	[tilespmem:$0x10080] =	vst v63  }
0x4b: {  	_ = 	snop  }
0x4c: {  	[hbm4b:s6+s3] =	stream.indirect_vreg.scatter [tilespmem:s14], [sflag:$0x1], $0x80, v3, vm0, $0xb8;
	[tilespmem:$0x10080] =	vst v63  }
0x4d: {  	v3 =	vld [tilespmem:$0x20];
	_ =	sdelay $0x4  }
0x4e: {  	v62 =	vshll.u32 v3, $0x3  }
0x4f: {  	v3 =	vand.u32 $0x7, v3;
	v4 =	vand.u32 $0xFFFFFFC0, v62  }
0x50: {  	v3 =	vor.u32 v3, v4  }
0x51: {  	v4 =	vperm.xlane v3, v0;
	_ =	sdelay $0x1  }
0x52: {  	v4 =	vadd.s32 v1, v4;
	_ =	sdelay $0x4  }
0x53: {  	[hbm4b:s2+s3] =	stream.indirect_vreg.scatter [tilespmem:s15], [sflag:$0x1], $0x80, v4, vm0, $0xb8;
	[tilespmem:$0x10080] =	vst v63  }
0x54: {  	v3 =	vperm.xlane v3, v2  }
0x55: {  	[hbm4b:s4+s3] =	stream.indirect_vreg.scatter [tilespmem:s16], [sflag:$0x1], $0x80, v4, vm0, $0xb8;
	[tilespmem:$0x10080] =	vst v63  }
0x56: {  	v3 =	vadd.s32 v1, v3  }
0x57: {  	[hbm4b:s5+s3] =	stream.indirect_vreg.scatter [tilespmem:s17], [sflag:$0x1], $0x80, v4, vm0, $0xb8;
	[tilespmem:$0x10080] =	vst v63  }
0x58: {  	_ = 	snop  }
0x59: {  	[hbm4b:s6+s3] =	stream.indirect_vreg.scatter [tilespmem:s18], [sflag:$0x1], $0x80, v4, vm0, $0xb8;
	[tilespmem:$0x10080] =	vst v63  }
0x5a: {  	_ = 	snop  }
0x5b: {  	[hbm4b:s2+s3] =	stream.indirect_vreg.scatter [tilespmem:s19], [sflag:$0x1], $0x80, v3, vm0, $0xb8;
	[tilespmem:$0x10080] =	vst v63  }
0x5c: {  	_ = 	snop  }
0x5d: {  	[hbm4b:s4+s3] =	stream.indirect_vreg.scatter [tilespmem:s20], [sflag:$0x1], $0x80, v3, vm0, $0xb8;
	[tilespmem:$0x10080] =	vst v63  }
0x5e: {  	_ = 	snop  }
0x5f: {  	[hbm4b:s5+s3] =	stream.indirect_vreg.scatter [tilespmem:s21], [sflag:$0x1], $0x80, v3, vm0, $0xb8;
	[tilespmem:$0x10080] =	vst v63  }
0x60: {  	_ = 	snop  }
0x61: {  	[hbm4b:s6+s3] =	stream.indirect_vreg.scatter [tilespmem:s22], [sflag:$0x1], $0x80, v3, vm0, $0xb8;
	[tilespmem:$0x10080] =	vst v63  }
0x62: {  	v3 =	vld [tilespmem:$0x30];
	_ =	sdelay $0x4  }
0x63: {  	v63 =	vshll.u32 v3, $0x3  }
0x64: {  	v3 =	vand.u32 $0x7, v3;
	v4 =	vand.u32 $0xFFFFFFC0, v63  }
0x65: {  	v3 =	vor.u32 v3, v4  }
0x66: {  	v4 =	vperm.xlane v3, v0;
	_ =	sdelay $0x1  }
0x67: {  	v4 =	vadd.s32 v1, v4;
	_ =	sdelay $0x4  }
0x68: {  	[hbm4b:s2+s3] =	stream.indirect_vreg.scatter [tilespmem:s23], [sflag:$0x1], $0x80, v4, vm0, $0xb8;
	[tilespmem:$0x10080] =	vst v63  }
0x69: {  	v3 =	vperm.xlane v3, v2  }
0x6a: {  	[hbm4b:s4+s3] =	stream.indirect_vreg.scatter [tilespmem:s24], [sflag:$0x1], $0x80, v4, vm0, $0xb8;
	[tilespmem:$0x10080] =	vst v63  }
0x6b: {  	v3 =	vadd.s32 v1, v3  }
0x6c: {  	[hbm4b:s5+s3] =	stream.indirect_vreg.scatter [tilespmem:s25], [sflag:$0x1], $0x80, v4, vm0, $0xb8;
	[tilespmem:$0x10080] =	vst v63  }
0x6d: {  	_ = 	snop  }
0x6e: {  	[hbm4b:s6+s3] =	stream.indirect_vreg.scatter [tilespmem:s26], [sflag:$0x1], $0x80, v4, vm0, $0xb8;
	[tilespmem:$0x10080] =	vst v63  }
0x6f: {  	_ = 	snop  }
0x70: {  	[hbm4b:s2+s3] =	stream.indirect_vreg.scatter [tilespmem:s28], [sflag:$0x1], $0x80, v3, vm0, $0xb8;
	[tilespmem:$0x10080] =	vst v63  }
0x71: {  	_ = 	snop  }
0x72: {  	[hbm4b:s4+s3] =	stream.indirect_vreg.scatter [tilespmem:s29], [sflag:$0x1], $0x80, v3, vm0, $0xb8;
	[tilespmem:$0x10080] =	vst v63  }
0x73: {  	p0 =	sne.s32 s7, $0x1  }
0x74: {  	[hbm4b:s5+s3] =	stream.indirect_vreg.scatter [tilespmem:s30], [sflag:$0x1], $0x80, v3, vm0, $0xb8;
	[tilespmem:$0x10080] =	vst v63  }
.Ltmp0:
0x75: {  	_ = 	snop;
	(pc) =	sbr.rel @p0 .LBB2_1-.Ltmp0, $4  }
0x76: {  	[hbm4b:s6+s3] =	stream.indirect_vreg.scatter [tilespmem:s31], [sflag:$0x1], $0x80, v3, vm0, $0xb8;
	[tilespmem:$0x10080] =	vst v63  }
0x77: {  	_ =	swait.ge [sflag:s1], $0x10000  }
0x78: {  	[sflag:s1] =	ssyncset.done $0x0  }
0x79: {  	s7 =	sadd.s32 $0xFFFFFFFF, s7;
	[sflag:s1] =	ssyncadd.s32 $0xFFFF0000  }
0x7a: {  	_ =	sfence.sel $0x180000  }
0x7b: {  	[bflag:$0x0] =	sbarrier.arrive $0xFFFF  }
0x7c: {  	_ =	strace $0x9000004A  }
0x7d: {  	s0 =	stileid.u32;
	[bflag:$0x2] =	sbarrier.arrive $0xFFFF  }
0x7e: {  	p0 =	sne.s32 s0, $0x0;
	s0 =	rddreg [dreg:$0x2]  }
0x7f: {  	s0 =	sadd.s32 @!p0 $0x100000, s0  }
0x80: {  	[sflag:s0] =	ssyncadd.tile.s32 @!p0 $0x1;
	_ =	shalt  }
.Lfunc_end2:
_tile_overlayer_lowered:
.L_overlay_start_2:
0x81: {  	(tag) =	ssettag $0x2  }
0x82: {  	s0 =	rddreg [dreg:$0x0];
	s2 =	stileid.u32  }
0x83: {  	s1 =	rddreg [dreg:$0x1];
	p0 =	sne.s32 s2, $0x0  }
0x84: {  	s3 =	rddreg [dreg:$0x2];
	[bflag:$0x3] =	sbarrier.arrive $0xFFFF;
	s2 =	simm.s32 @!p0 $0x1C02  }
0x85: {  	[timem:s3], [sflag:s2] =	dma.local @!p0 [hbm:s0], s1  }
0x86: {  	s0 =	simm.s32 @!p0 $0x2  }
0x87: {  	_ =	swait.ge @!p0 [sflag:s0], s1  }
0x88: {  	s1 =	ssub.s32 @!p0 $0x0, s1;
	[sflag:s0] =	ssyncset.done @!p0 $0x0  }
0x89: {  	[sflag:s0] =	ssyncadd.s32 @!p0 s1  }
0x8a: {  	[bflag:$0x3] =	sbarrier.arrive $0xFFFF  }
0x8b: {  	_ =	shalt  }

</sc_bundles>
